<compile_context>
chip_gen: v7x
topology: tpu7x:2x2x1
jax: 0.10.2.dev20260603
libtpu: 0.0.44.dev20260713+nightly
codegen_flags: <defaults>
</compile_context>

<pallas_src>
import jax
import jax.numpy as jnp
from jax import lax
from jax.experimental import pallas as pl
from jax.experimental.pallas import tpu as pltpu
from jax.experimental.pallas import tpu_sc as plsc

_N = 10000
_E = 160000
_H = 128
_R = 8
_B = 2

_NC = 2
_NS = 16
_NW = _NC * _NS

_CH = 128
_DEPTH = 2
_EPT = _E // _NW
_NCH = (_EPT + _CH - 1) // _CH
_NCH += (-_NCH) % _DEPTH
_EPAD = _NCH * _CH
_NPAD = _N + _NS
_ZR = 624
_ZTAIL = _NPAD - _ZR * _NS
_DR = 624
_DTAIL = _N - _DR * _NS

_BLK = 2000


def _sc_body(*refs):
    (P_hbm, gix_hbm, dst_hbm, z_hbm, out_hbm, dst_v, gidx_v) = refs[:7]
    rows = refs[7:7 + _DEPTH]
    agg = refs[7 + _DEPTH]
    sems = refs[8 + _DEPTH:8 + 2 * _DEPTH]
    cid = lax.axis_index("c")
    sid = lax.axis_index("s")
    w = cid * _NS + sid

    pltpu.sync_copy(gix_hbm.at[w], gidx_v)

    for b in range(_DEPTH):
        pltpu.async_copy(P_hbm.at[gidx_v.at[b]], rows[b], sems[b])

    pltpu.sync_copy(dst_hbm.at[w], dst_v)

    pltpu.sync_copy(z_hbm, agg.at[pl.ds(sid * _ZR, _ZR)])

    @pl.when(sid == _NS - 1)
    def _():
        pltpu.sync_copy(z_hbm.at[pl.ds(0, _ZTAIL)],
                        agg.at[pl.ds(_NS * _ZR, _ZTAIL)])

    plsc.subcore_barrier()

    def ring(g, carry):
        base = g * _DEPTH
        for b in range(_DEPTH):
            i = base + b
            pltpu.make_async_copy(P_hbm.at[gidx_v.at[i]], rows[b], sems[b]).wait()
            pltpu.sync_copy(rows[b], agg.at[dst_v.at[i]], add=True)

            @pl.when(g < _NCH // _DEPTH - 1)
            def _():
                pltpu.async_copy(P_hbm.at[gidx_v.at[i + _DEPTH]], rows[b], sems[b])

        return carry

    lax.fori_loop(0, _NCH // _DEPTH, ring, 0)

    plsc.subcore_barrier()
    pltpu.sync_copy(agg.at[pl.ds(sid * _DR, _DR)],
                    out_hbm.at[cid, pl.ds(sid * _DR, _DR)])

    @pl.when(sid == _NS - 1)
    def _():
        pltpu.sync_copy(agg.at[pl.ds(_NS * _DR, _DTAIL)],
                        out_hbm.at[cid, pl.ds(_NS * _DR, _DTAIL)])


def _sc_scatter(P, gixp, dstp, zrows):
    mesh = plsc.VectorSubcoreMesh(core_axis_name="c", subcore_axis_name="s")
    kern = pl.kernel(
        _sc_body,
        out_type=jax.ShapeDtypeStruct((_NC, _N, _H), jnp.float32),
        mesh=mesh,
        scratch_types=(
            [pltpu.VMEM((_NCH, _CH), jnp.int32),
             pltpu.VMEM((_NCH, _CH), jnp.int32)]
            + [pltpu.VMEM((_CH, _H), jnp.float32) for _ in range(_DEPTH)]
            + [pltpu.VMEM_SHARED((_NPAD, _H), jnp.float32)]
            + [pltpu.SemaphoreType.DMA for _ in range(_DEPTH)]
        ),
    )
    return kern(P, gixp, dstp, zrows)


def _gidx_prep(srcp2d, typp2d):
    def body(s_ref, t_ref, g_ref):
        g_ref[...] = t_ref[...] * _N + s_ref[...]

    return pl.pallas_call(
        body,
        out_shape=jax.ShapeDtypeStruct((_NW, _EPAD), jnp.int32),
    )(srcp2d, typp2d)


def _proj(h_args, comb, V, Wself, b2d, fuse_relu, fcw2d=None):
    nblk = _N // _BLK

    def body(*refs):
        if fuse_relu:
            a_ref, s0_ref, comb_ref, V_ref, Ws_ref, b_ref, f_ref, P_ref, S_ref = refs
            hb = jnp.maximum(a_ref[0] + a_ref[1] + s0_ref[...], 0.0)
        else:
            h_ref, comb_ref, V_ref, Ws_ref, b_ref, P_ref, S_ref = refs
            hb = h_ref[...]
        for r in range(_R):
            acc = comb_ref[r, 0] * V_ref[0]
            for b in range(1, _B):
                acc = acc + comb_ref[r, b] * V_ref[b]
            P_ref[r] = jnp.dot(hb, acc, preferred_element_type=jnp.float32)
        S = jnp.dot(hb, Ws_ref[...],
                    preferred_element_type=jnp.float32) + b_ref[...]
        if fcw2d is None:
            S_ref[...] = S
        else:
            i = pl.program_id(0)
            part = jnp.sum(S * f_ref[...])

            @pl.when(i == 0)
            def _():
                S_ref[...] = jnp.zeros_like(S_ref)

            S_ref[...] += part

    if fuse_relu:
        in_specs = [
            pl.BlockSpec((_NC, _BLK, _H), lambda i: (0, i, 0)),
            pl.BlockSpec((_BLK, _H), lambda i: (i, 0)),
        ]
    else:
        in_specs = [pl.BlockSpec((_BLK, _H), lambda i: (i, 0))]
    in_specs += [
        pl.BlockSpec(memory_space=pltpu.SMEM),
        pl.BlockSpec((_B, _H, _H), lambda i: (0, 0, 0)),
        pl.BlockSpec((_H, _H), lambda i: (0, 0)),
        pl.BlockSpec((1, _H), lambda i: (0, 0)),
    ]
    args = list(h_args) + [comb, V, Wself, b2d]
    if fcw2d is None:
        s_spec = pl.BlockSpec((_BLK, _H), lambda i: (i, 0))
        s_shape = jax.ShapeDtypeStruct((_N, _H), jnp.float32)
    else:
        in_specs.append(pl.BlockSpec((_BLK, _H), lambda i: (i, 0)))
        args.append(fcw2d)
        s_spec = pl.BlockSpec((1, 1), lambda i: (0, 0))
        s_shape = jax.ShapeDtypeStruct((1, 1), jnp.float32)
    return pl.pallas_call(
        body,
        grid=(nblk,),
        in_specs=in_specs,
        out_specs=[
            pl.BlockSpec((_R, _BLK, _H), lambda i: (0, i, 0)),
            s_spec,
        ],
        out_shape=[
            jax.ShapeDtypeStruct((_R, _N, _H), jnp.float32),
            s_shape,
        ],
    )(*args)


def _final(aggp, t1, fcw2d, fcb):
    nblk = _N // _BLK

    def body(a_ref, t_ref, f_ref, fcb_ref, o_ref):
        i = pl.program_id(0)
        part = jnp.sum((a_ref[0] + a_ref[1]) * f_ref[...])

        @pl.when(i == 0)
        def _():
            o_ref[...] = jnp.zeros_like(o_ref)

        o_ref[...] += part

        @pl.when(i == nblk - 1)
        def _():
            x = o_ref[...] + t_ref[...] + fcb_ref[0]
            o_ref[...] = 1.0 / (1.0 + jnp.exp(-x))

    return pl.pallas_call(
        body,
        grid=(nblk,),
        in_specs=[
            pl.BlockSpec((_NC, _BLK, _H), lambda i: (0, i, 0)),
            pl.BlockSpec((1, 1), lambda i: (0, 0)),
            pl.BlockSpec((_BLK, _H), lambda i: (i, 0)),
            pl.BlockSpec(memory_space=pltpu.SMEM),
        ],
        out_specs=pl.BlockSpec((1, 1), lambda i: (0, 0)),
        out_shape=jax.ShapeDtypeStruct((1, 1), jnp.float32),
    )(aggp, t1, fcw2d, fcb)


def kernel(features, edge_index, edge_type, V0, comb0, Wself0, b0,
           V1, comb1, Wself1, b1, fcW, fcb):
    src = edge_index[0]
    dst = edge_index[1]

    pad = _EPAD - _EPT
    srcp = jnp.pad(src.reshape(_NW, _EPT), ((0, 0), (0, pad)))
    typp = jnp.pad(edge_type.reshape(_NW, _EPT), ((0, 0), (0, pad)))
    dstp = jnp.pad(dst.reshape(_NW, _EPT), ((0, 0), (0, pad)),
                   constant_values=_N).reshape(_NW, _NCH, _CH)
    gixp = _gidx_prep(srcp, typp).reshape(_NW, _NCH, _CH)
    zrows = jnp.zeros((_ZR, _H), jnp.float32)

    P0, S0 = _proj((features,), comb0, V0, Wself0, b0.reshape(1, _H),
                   fuse_relu=False)
    agg0 = _sc_scatter(P0.reshape(_R * _N, _H), gixp, dstp, zrows)

    fcw2d = fcW.reshape(_N, _H)
    P1, t1 = _proj((agg0, S0), comb1, V1, Wself1, b1.reshape(1, _H),
                   fuse_relu=True, fcw2d=fcw2d)
    agg1 = _sc_scatter(P1.reshape(_R * _N, _H), gixp, dstp, zrows)

    return _final(agg1, t1, fcw2d, fcb)

# --- scband reference (transcript-rebuilt; emitter-appended) ---
"""Pipeline reference for scband-ppimodel-24859270709495 (READ-ONLY COPY).

The authoritative reference and input builder live on the scoring server;
editing this copy changes nothing except your own understanding.
"""

import jax, jax.numpy as jnp
import numpy as np

N = 10000
E = 160000
H = 128
R = 8
B = 2

def setup_inputs(seed: int = 0) -> dict:
    key = jax.random.key(seed)
    ks = jax.random.split(key, 16)
    features = jax.random.normal(ks[0], (N, H), dtype=jnp.float32)
    edge_index = jax.random.randint(ks[1], (2, E), 0, N, dtype=jnp.int32)
    edge_type = jax.random.randint(ks[2], (E,), 0, R, dtype=jnp.int32)
    # RelGraphConv layer 0 params (basis decomposition)
    V0 = jax.random.normal(ks[3], (B, H, H), dtype=jnp.float32) * 0.05
    comb0 = jax.random.normal(ks[4], (R, B), dtype=jnp.float32) * 0.3
    Wself0 = jax.random.normal(ks[5], (H, H), dtype=jnp.float32) * 0.05
    b0 = jnp.zeros((H,), dtype=jnp.float32)
    # RelGraphConv layer 1 params
    V1 = jax.random.normal(ks[6], (B, H, H), dtype=jnp.float32) * 0.05
    comb1 = jax.random.normal(ks[7], (R, B), dtype=jnp.float32) * 0.3
    Wself1 = jax.random.normal(ks[8], (H, H), dtype=jnp.float32) * 0.05
    b1 = jnp.zeros((H,), dtype=jnp.float32)
    # final fc: Linear(num_nodes*h_dim, 1)
    fcW = jax.random.normal(ks[9], (N * H, 1), dtype=jnp.float32) * 0.001
    fcb = jnp.zeros((1,), dtype=jnp.float32)
    return {"features": features, "edge_index": edge_index, "edge_type": edge_type,
            "V0": V0, "comb0": comb0, "Wself0": Wself0, "b0": b0,
            "V1": V1, "comb1": comb1, "Wself1": Wself1, "b1": b1,
            "fcW": fcW, "fcb": fcb}

def _rel_graph_conv(h, src, dst, edge_type, V, comb, Wself, b, act):
    # basis regularizer: W_r = sum_b comb[r, b] * V[b]
    # low-memory form: project src features through each basis, then mix per-edge
    proj = jnp.einsum('ei,bio->ebo', h[src], V)          # [E, B, out]
    coeff = comb[edge_type]                               # [E, B] (gather)
    msg = jnp.einsum('eb,ebo->eo', coeff, proj)           # [E, out]
    agg = jnp.zeros((h.shape[0], V.shape[2]), dtype=h.dtype).at[dst].add(msg)  # scatter-add
    out = agg + h @ Wself + b                             # self loop + bias
    if act:
        out = jax.nn.relu(out)
    return out

def reference(features, edge_index, edge_type, V0, comb0, Wself0, b0, V1, comb1, Wself1, b1, fcW, fcb):
    src = edge_index[0]
    dst = edge_index[1]
    h = _rel_graph_conv(features, src, dst, edge_type, V0, comb0, Wself0, b0, True)
    h = _rel_graph_conv(h, src, dst, edge_type, V1, comb1, Wself1, b1, False)
    x = h.reshape(-1, N * H)
    return jax.nn.sigmoid(x @ fcW + fcb)

if __name__ == "__main__":
    import jax
    _d = setup_inputs()
    print(jax.jit(kernel)(*tuple(_d.values())))

</pallas_src>

<mosaic_0001>
#map = affine_map<(d0, d1) -> (0, 0)>
#map1 = affine_map<(d0, d1) -> (0, 0, 0)>
module attributes {stable_mosaic.version = 14 : i64} {
  func.func @_sc_body(%arg0: i32, %arg1: i32, %arg2: memref<80000x128xf32, #tpu.memory_space<hbm>>, %arg3: memref<32x40x128xi32, #tpu.memory_space<hbm>>, %arg4: memref<32x40x128xi32, #tpu.memory_space<hbm>>, %arg5: memref<624x128xf32, #tpu.memory_space<hbm>>, %arg6: memref<2x10000x128xf32, #tpu.memory_space<hbm>>, %arg7: memref<40x128xi32, #tpu.memory_space<vmem>>, %arg8: memref<40x128xi32, #tpu.memory_space<vmem>>, %arg9: memref<128x128xf32, #tpu.memory_space<vmem>>, %arg10: memref<128x128xf32, #tpu.memory_space<vmem>>, %arg11: memref<10016x128xf32, #tpu.memory_space<vmem_shared>>, %arg12: memref<!tpu.dma_semaphore, #tpu.memory_space<semaphore_mem>>, %arg13: memref<!tpu.dma_semaphore, #tpu.memory_space<semaphore_mem>>) attributes {dimension_semantics = [#tpu.dimension_semantics<core_parallel>, #tpu.dimension_semantics<subcore_parallel>], iteration_bounds = array<i64: 2, 16>, scalar_prefetch = 0 : i64, scratch_operands = 7 : i64, tpu.core_type = #tpu.core_type<sc_vector_subcore>, window_params = [{transform_indices = #map}, {transform_indices = #map1}, {transform_indices = #map1}, {transform_indices = #map}, {transform_indices = #map1}]} {
    %mul3A = arith.constant 16 : i32
    %mul3A_0 = arith.muli %arg0, %mul3A : i32
    %add3A = arith.addi %mul3A_0, %arg1 : i32
    "tpu.region"() ({
      %run_scoped3A = tpu.sem_alloc : memref<!tpu.dma_semaphore, #tpu.memory_space<semaphore_mem>>
      %dma_start3A_33 = arith.constant 0 : i32
      %dma_start3A_34 = arith.constant 0 : i32
      %dma_start3A_35 = tpu.memref_slice %arg3[%add3A, %dma_start3A_33, %dma_start3A_34] : memref<32x40x128xi32, #tpu.memory_space<hbm>> -> memref<1x40x128xi32, #tpu.memory_space<hbm>>
      %dma_start3A_36 = tpu.memref_squeeze %dma_start3A_35 : memref<1x40x128xi32, #tpu.memory_space<hbm>> -> memref<40x128xi32, #tpu.memory_space<hbm>>
      %dma_start3A_37 = arith.constant 0 : i32
      %dma_start3A_38 = arith.constant 0 : i32
      %dma_start3A_39 = tpu.memref_slice %arg3[%add3A, %dma_start3A_37, %dma_start3A_38] : memref<32x40x128xi32, #tpu.memory_space<hbm>> -> memref<1x40x128xi32, #tpu.memory_space<hbm>>
      %dma_start3A_40 = tpu.memref_squeeze %dma_start3A_39 : memref<1x40x128xi32, #tpu.memory_space<hbm>> -> memref<40x128xi32, #tpu.memory_space<hbm>>
      tpu.enqueue_dma source(%dma_start3A_40 : memref<40x128xi32, #tpu.memory_space<hbm>>) target(%arg8 : memref<40x128xi32, #tpu.memory_space<vmem>>) target_semaphore(%run_scoped3A : memref<!tpu.dma_semaphore, #tpu.memory_space<semaphore_mem>>)
      %dma_wait3A = arith.constant 0 : i32
      %dma_wait3A_41 = arith.constant 0 : i32
      %dma_wait3A_42 = tpu.memref_slice %arg3[%add3A, %dma_wait3A, %dma_wait3A_41] : memref<32x40x128xi32, #tpu.memory_space<hbm>> -> memref<1x40x128xi32, #tpu.memory_space<hbm>>
      %dma_wait3A_43 = tpu.memref_squeeze %dma_wait3A_42 : memref<1x40x128xi32, #tpu.memory_space<hbm>> -> memref<40x128xi32, #tpu.memory_space<hbm>>
      %dma_wait3A_44 = arith.constant 0 : i32
      %dma_wait3A_45 = arith.constant 0 : i32
      %dma_wait3A_46 = tpu.memref_slice %arg3[%add3A, %dma_wait3A_44, %dma_wait3A_45] : memref<32x40x128xi32, #tpu.memory_space<hbm>> -> memref<1x40x128xi32, #tpu.memory_space<hbm>>
      %dma_wait3A_47 = tpu.memref_squeeze %dma_wait3A_46 : memref<1x40x128xi32, #tpu.memory_space<hbm>> -> memref<40x128xi32, #tpu.memory_space<hbm>>
      tpu.wait_dma2 semaphore(%run_scoped3A : memref<!tpu.dma_semaphore, #tpu.memory_space<semaphore_mem>>) src(%dma_wait3A_47 : memref<40x128xi32, #tpu.memory_space<hbm>>) dst(%arg8 : memref<40x128xi32, #tpu.memory_space<vmem>>)
      tpu.yield
    }) : () -> ()
    %dma_start3A = arith.constant 0 : i32
    %dma_start3A_1 = arith.constant 0 : i32
    %dma_start3A_2 = tpu.memref_slice %arg8[%dma_start3A, %dma_start3A_1] : memref<40x128xi32, #tpu.memory_space<vmem>> -> memref<1x128xi32, #tpu.memory_space<vmem>>
    %dma_start3A_3 = tpu.memref_squeeze %dma_start3A_2 : memref<1x128xi32, #tpu.memory_space<vmem>> -> memref<128xi32, #tpu.memory_space<vmem>>
    %dma_start3A_4 = arith.constant 0 : i32
    %dma_start3A_5 = arith.constant 0 : i32
    %dma_start3A_6 = tpu.memref_slice %arg2[%dma_start3A_4, %dma_start3A_5] : memref<80000x128xf32, #tpu.memory_space<hbm>> -> memref<80000x128xf32, #tpu.memory_space<hbm>>
    tpu.enqueue_indirect_dma source(%dma_start3A_6 : memref<80000x128xf32, #tpu.memory_space<hbm>>) target(%arg9 : memref<128x128xf32, #tpu.memory_space<vmem>>) offsets(%dma_start3A_3 : memref<128xi32, #tpu.memory_space<vmem>>) semaphore(%arg12 : memref<!tpu.dma_semaphore, #tpu.memory_space<semaphore_mem>>)
    %dma_start3A_7 = arith.constant 1 : i32
    %dma_start3A_8 = arith.constant 0 : i32
    %dma_start3A_9 = tpu.memref_slice %arg8[%dma_start3A_7, %dma_start3A_8] : memref<40x128xi32, #tpu.memory_space<vmem>> -> memref<1x128xi32, #tpu.memory_space<vmem>>
    %dma_start3A_10 = tpu.memref_squeeze %dma_start3A_9 : memref<1x128xi32, #tpu.memory_space<vmem>> -> memref<128xi32, #tpu.memory_space<vmem>>
    %dma_start3A_11 = arith.constant 0 : i32
    %dma_start3A_12 = arith.constant 0 : i32
    %dma_start3A_13 = tpu.memref_slice %arg2[%dma_start3A_11, %dma_start3A_12] : memref<80000x128xf32, #tpu.memory_space<hbm>> -> memref<80000x128xf32, #tpu.memory_space<hbm>>
    tpu.enqueue_indirect_dma source(%dma_start3A_13 : memref<80000x128xf32, #tpu.memory_space<hbm>>) target(%arg10 : memref<128x128xf32, #tpu.memory_space<vmem>>) offsets(%dma_start3A_10 : memref<128xi32, #tpu.memory_space<vmem>>) semaphore(%arg13 : memref<!tpu.dma_semaphore, #tpu.memory_space<semaphore_mem>>)
    "tpu.region"() ({
      %run_scoped3A = tpu.sem_alloc : memref<!tpu.dma_semaphore, #tpu.memory_space<semaphore_mem>>
      %dma_start3A_33 = arith.constant 0 : i32
      %dma_start3A_34 = arith.constant 0 : i32
      %dma_start3A_35 = tpu.memref_slice %arg4[%add3A, %dma_start3A_33, %dma_start3A_34] : memref<32x40x128xi32, #tpu.memory_space<hbm>> -> memref<1x40x128xi32, #tpu.memory_space<hbm>>
      %dma_start3A_36 = tpu.memref_squeeze %dma_start3A_35 : memref<1x40x128xi32, #tpu.memory_space<hbm>> -> memref<40x128xi32, #tpu.memory_space<hbm>>
      %dma_start3A_37 = arith.constant 0 : i32
      %dma_start3A_38 = arith.constant 0 : i32
      %dma_start3A_39 = tpu.memref_slice %arg4[%add3A, %dma_start3A_37, %dma_start3A_38] : memref<32x40x128xi32, #tpu.memory_space<hbm>> -> memref<1x40x128xi32, #tpu.memory_space<hbm>>
      %dma_start3A_40 = tpu.memref_squeeze %dma_start3A_39 : memref<1x40x128xi32, #tpu.memory_space<hbm>> -> memref<40x128xi32, #tpu.memory_space<hbm>>
      tpu.enqueue_dma source(%dma_start3A_40 : memref<40x128xi32, #tpu.memory_space<hbm>>) target(%arg7 : memref<40x128xi32, #tpu.memory_space<vmem>>) target_semaphore(%run_scoped3A : memref<!tpu.dma_semaphore, #tpu.memory_space<semaphore_mem>>)
      %dma_wait3A = arith.constant 0 : i32
      %dma_wait3A_41 = arith.constant 0 : i32
      %dma_wait3A_42 = tpu.memref_slice %arg4[%add3A, %dma_wait3A, %dma_wait3A_41] : memref<32x40x128xi32, #tpu.memory_space<hbm>> -> memref<1x40x128xi32, #tpu.memory_space<hbm>>
      %dma_wait3A_43 = tpu.memref_squeeze %dma_wait3A_42 : memref<1x40x128xi32, #tpu.memory_space<hbm>> -> memref<40x128xi32, #tpu.memory_space<hbm>>
      %dma_wait3A_44 = arith.constant 0 : i32
      %dma_wait3A_45 = arith.constant 0 : i32
      %dma_wait3A_46 = tpu.memref_slice %arg4[%add3A, %dma_wait3A_44, %dma_wait3A_45] : memref<32x40x128xi32, #tpu.memory_space<hbm>> -> memref<1x40x128xi32, #tpu.memory_space<hbm>>
      %dma_wait3A_47 = tpu.memref_squeeze %dma_wait3A_46 : memref<1x40x128xi32, #tpu.memory_space<hbm>> -> memref<40x128xi32, #tpu.memory_space<hbm>>
      tpu.wait_dma2 semaphore(%run_scoped3A : memref<!tpu.dma_semaphore, #tpu.memory_space<semaphore_mem>>) src(%dma_wait3A_47 : memref<40x128xi32, #tpu.memory_space<hbm>>) dst(%arg7 : memref<40x128xi32, #tpu.memory_space<vmem>>)
      tpu.yield
    }) : () -> ()
    %mul3A_14 = arith.constant 624 : i32
    %mul3A_15 = arith.muli %arg1, %mul3A_14 : i32
    "tpu.region"() ({
      %run_scoped3A = tpu.sem_alloc : memref<!tpu.dma_semaphore, #tpu.memory_space<semaphore_mem>>
      %dma_start3A_33 = arith.constant 0 : i32
      %dma_start3A_34 = tpu.memref_slice %arg11[%mul3A_15, %dma_start3A_33] : memref<10016x128xf32, #tpu.memory_space<vmem_shared>> -> memref<624x128xf32, #tpu.memory_space<vmem_shared>>
      tpu.enqueue_dma source(%arg5 : memref<624x128xf32, #tpu.memory_space<hbm>>) target(%dma_start3A_34 : memref<624x128xf32, #tpu.memory_space<vmem_shared>>) target_semaphore(%run_scoped3A : memref<!tpu.dma_semaphore, #tpu.memory_space<semaphore_mem>>)
      %dma_wait3A = arith.constant 0 : i32
      %dma_wait3A_35 = tpu.memref_slice %arg11[%mul3A_15, %dma_wait3A] : memref<10016x128xf32, #tpu.memory_space<vmem_shared>> -> memref<624x128xf32, #tpu.memory_space<vmem_shared>>
      tpu.wait_dma2 semaphore(%run_scoped3A : memref<!tpu.dma_semaphore, #tpu.memory_space<semaphore_mem>>) src(%arg5 : memref<624x128xf32, #tpu.memory_space<hbm>>) dst(%dma_wait3A_35 : memref<624x128xf32, #tpu.memory_space<vmem_shared>>)
      tpu.yield
    }) : () -> ()
    %eq3A = arith.constant 15 : i32
    %eq3A_16 = arith.cmpi eq, %arg1, %eq3A : i32
    %convert_element_type3A = arith.extui %eq3A_16 : i1 to i32
    %cond3A = arith.constant 0 : i32
    %cond3A_17 = arith.cmpi ne, %convert_element_type3A, %cond3A : i32
    scf.if %cond3A_17 {
      "tpu.region"() ({
        %run_scoped3A = tpu.sem_alloc : memref<!tpu.dma_semaphore, #tpu.memory_space<semaphore_mem>>
        %dma_start3A_33 = arith.constant 9984 : i32
        %dma_start3A_34 = arith.constant 0 : i32
        %dma_start3A_35 = tpu.memref_slice %arg11[%dma_start3A_33, %dma_start3A_34] : memref<10016x128xf32, #tpu.memory_space<vmem_shared>> -> memref<32x128xf32, #tpu.memory_space<vmem_shared>>
        %dma_start3A_36 = arith.constant 0 : i32
        %dma_start3A_37 = arith.constant 0 : i32
        %dma_start3A_38 = tpu.memref_slice %arg5[%dma_start3A_36, %dma_start3A_37] : memref<624x128xf32, #tpu.memory_space<hbm>> -> memref<32x128xf32, #tpu.memory_space<hbm>>
        tpu.enqueue_dma source(%dma_start3A_38 : memref<32x128xf32, #tpu.memory_space<hbm>>) target(%dma_start3A_35 : memref<32x128xf32, #tpu.memory_space<vmem_shared>>) target_semaphore(%run_scoped3A : memref<!tpu.dma_semaphore, #tpu.memory_space<semaphore_mem>>)
        %dma_wait3A = arith.constant 9984 : i32
        %dma_wait3A_39 = arith.constant 0 : i32
        %dma_wait3A_40 = tpu.memref_slice %arg11[%dma_wait3A, %dma_wait3A_39] : memref<10016x128xf32, #tpu.memory_space<vmem_shared>> -> memref<32x128xf32, #tpu.memory_space<vmem_shared>>
        %dma_wait3A_41 = arith.constant 0 : i32
        %dma_wait3A_42 = arith.constant 0 : i32
        %dma_wait3A_43 = tpu.memref_slice %arg5[%dma_wait3A_41, %dma_wait3A_42] : memref<624x128xf32, #tpu.memory_space<hbm>> -> memref<32x128xf32, #tpu.memory_space<hbm>>
        tpu.wait_dma2 semaphore(%run_scoped3A : memref<!tpu.dma_semaphore, #tpu.memory_space<semaphore_mem>>) src(%dma_wait3A_43 : memref<32x128xf32, #tpu.memory_space<hbm>>) dst(%dma_wait3A_40 : memref<32x128xf32, #tpu.memory_space<vmem_shared>>)
        tpu.yield
      }) : () -> ()
    } else {
    }
    %barrier3A = arith.constant 0 : index
    tpu.barrier barrier_id(%barrier3A)
    %scan3A = arith.constant 0 : i32
    %scan3A_18 = arith.constant 0 : i32
    %scan3A_19 = arith.constant 20 : i32
    %scan3A_20 = arith.addi %scan3A_18, %scan3A_19 : i32
    %scan3A_21 = arith.constant 1 : i32
    scf.for %scan3A_33 = %scan3A_18 to %scan3A_20 step %scan3A_21  : i32 {
      %mul3A_34 = arith.constant 2 : i32
      %mul3A_35 = arith.muli %scan3A_33, %mul3A_34 : i32
      %add3A_36 = arith.constant 0 : i32
      %add3A_37 = arith.addi %mul3A_35, %add3A_36 : i32
      %dma_wait3A = arith.constant 0 : i32
      %dma_wait3A_38 = tpu.memref_slice %arg8[%add3A_37, %dma_wait3A] : memref<40x128xi32, #tpu.memory_space<vmem>> -> memref<1x128xi32, #tpu.memory_space<vmem>>
      %dma_wait3A_39 = tpu.memref_squeeze %dma_wait3A_38 : memref<1x128xi32, #tpu.memory_space<vmem>> -> memref<128xi32, #tpu.memory_space<vmem>>
      %dma_wait3A_40 = arith.constant 0 : i32
      %dma_wait3A_41 = arith.constant 0 : i32
      %dma_wait3A_42 = tpu.memref_slice %arg2[%dma_wait3A_40, %dma_wait3A_41] : memref<80000x128xf32, #tpu.memory_space<hbm>> -> memref<80000x128xf32, #tpu.memory_space<hbm>>
      tpu.wait_indirect_dma semaphore(%arg12 : memref<!tpu.dma_semaphore, #tpu.memory_space<semaphore_mem>>) src(%dma_wait3A_42 : memref<80000x128xf32, #tpu.memory_space<hbm>>) dst(%arg9 : memref<128x128xf32, #tpu.memory_space<vmem>>)
      "tpu.region"() ({
        %run_scoped3A = tpu.sem_alloc : memref<!tpu.dma_semaphore, #tpu.memory_space<semaphore_mem>>
        %dma_start3A_60 = arith.constant 0 : i32
        %dma_start3A_61 = tpu.memref_slice %arg7[%add3A_37, %dma_start3A_60] : memref<40x128xi32, #tpu.memory_space<vmem>> -> memref<1x128xi32, #tpu.memory_space<vmem>>
        %dma_start3A_62 = tpu.memref_squeeze %dma_start3A_61 : memref<1x128xi32, #tpu.memory_space<vmem>> -> memref<128xi32, #tpu.memory_space<vmem>>
        %dma_start3A_63 = arith.constant 0 : i32
        %dma_start3A_64 = arith.constant 0 : i32
        %dma_start3A_65 = tpu.memref_slice %arg11[%dma_start3A_63, %dma_start3A_64] : memref<10016x128xf32, #tpu.memory_space<vmem_shared>> -> memref<10016x128xf32, #tpu.memory_space<vmem_shared>>
        tpu.enqueue_indirect_dma source(%arg9 : memref<128x128xf32, #tpu.memory_space<vmem>>) target(%dma_start3A_65 : memref<10016x128xf32, #tpu.memory_space<vmem_shared>>) offsets(%dma_start3A_62 : memref<128xi32, #tpu.memory_space<vmem>>) semaphore(%run_scoped3A : memref<!tpu.dma_semaphore, #tpu.memory_space<semaphore_mem>>) {add = true}
        %dma_wait3A_66 = arith.constant 0 : i32
        %dma_wait3A_67 = tpu.memref_slice %arg7[%add3A_37, %dma_wait3A_66] : memref<40x128xi32, #tpu.memory_space<vmem>> -> memref<1x128xi32, #tpu.memory_space<vmem>>
        %dma_wait3A_68 = tpu.memref_squeeze %dma_wait3A_67 : memref<1x128xi32, #tpu.memory_space<vmem>> -> memref<128xi32, #tpu.memory_space<vmem>>
        %dma_wait3A_69 = arith.constant 0 : i32
        %dma_wait3A_70 = arith.constant 0 : i32
        %dma_wait3A_71 = tpu.memref_slice %arg11[%dma_wait3A_69, %dma_wait3A_70] : memref<10016x128xf32, #tpu.memory_space<vmem_shared>> -> memref<10016x128xf32, #tpu.memory_space<vmem_shared>>
        tpu.wait_indirect_dma semaphore(%run_scoped3A : memref<!tpu.dma_semaphore, #tpu.memory_space<semaphore_mem>>) src(%arg9 : memref<128x128xf32, #tpu.memory_space<vmem>>) dst(%dma_wait3A_71 : memref<10016x128xf32, #tpu.memory_space<vmem_shared>>)
        tpu.yield
      }) : () -> ()
      %lt3A = arith.constant 19 : i32
      %lt3A_43 = arith.cmpi slt, %scan3A_33, %lt3A : i32
      %convert_element_type3A_44 = arith.extui %lt3A_43 : i1 to i32
      %cond3A_45 = arith.constant 0 : i32
      %cond3A_46 = arith.cmpi ne, %convert_element_type3A_44, %cond3A_45 : i32
      scf.if %cond3A_46 {
        %add3A_60 = arith.constant 2 : i32
        %add3A_61 = arith.addi %add3A_37, %add3A_60 : i32
        %dma_start3A_62 = arith.constant 0 : i32
        %dma_start3A_63 = tpu.memref_slice %arg8[%add3A_61, %dma_start3A_62] : memref<40x128xi32, #tpu.memory_space<vmem>> -> memref<1x128xi32, #tpu.memory_space<vmem>>
        %dma_start3A_64 = tpu.memref_squeeze %dma_start3A_63 : memref<1x128xi32, #tpu.memory_space<vmem>> -> memref<128xi32, #tpu.memory_space<vmem>>
        %dma_start3A_65 = arith.constant 0 : i32
        %dma_start3A_66 = arith.constant 0 : i32
        %dma_start3A_67 = tpu.memref_slice %arg2[%dma_start3A_65, %dma_start3A_66] : memref<80000x128xf32, #tpu.memory_space<hbm>> -> memref<80000x128xf32, #tpu.memory_space<hbm>>
        tpu.enqueue_indirect_dma source(%dma_start3A_67 : memref<80000x128xf32, #tpu.memory_space<hbm>>) target(%arg9 : memref<128x128xf32, #tpu.memory_space<vmem>>) offsets(%dma_start3A_64 : memref<128xi32, #tpu.memory_space<vmem>>) semaphore(%arg12 : memref<!tpu.dma_semaphore, #tpu.memory_space<semaphore_mem>>)
      } else {
      }
      %add3A_47 = arith.constant 1 : i32
      %add3A_48 = arith.addi %mul3A_35, %add3A_47 : i32
      %dma_wait3A_49 = arith.constant 0 : i32
      %dma_wait3A_50 = tpu.memref_slice %arg8[%add3A_48, %dma_wait3A_49] : memref<40x128xi32, #tpu.memory_space<vmem>> -> memref<1x128xi32, #tpu.memory_space<vmem>>
      %dma_wait3A_51 = tpu.memref_squeeze %dma_wait3A_50 : memref<1x128xi32, #tpu.memory_space<vmem>> -> memref<128xi32, #tpu.memory_space<vmem>>
      %dma_wait3A_52 = arith.constant 0 : i32
      %dma_wait3A_53 = arith.constant 0 : i32
      %dma_wait3A_54 = tpu.memref_slice %arg2[%dma_wait3A_52, %dma_wait3A_53] : memref<80000x128xf32, #tpu.memory_space<hbm>> -> memref<80000x128xf32, #tpu.memory_space<hbm>>
      tpu.wait_indirect_dma semaphore(%arg13 : memref<!tpu.dma_semaphore, #tpu.memory_space<semaphore_mem>>) src(%dma_wait3A_54 : memref<80000x128xf32, #tpu.memory_space<hbm>>) dst(%arg10 : memref<128x128xf32, #tpu.memory_space<vmem>>)
      "tpu.region"() ({
        %run_scoped3A = tpu.sem_alloc : memref<!tpu.dma_semaphore, #tpu.memory_space<semaphore_mem>>
        %dma_start3A_60 = arith.constant 0 : i32
        %dma_start3A_61 = tpu.memref_slice %arg7[%add3A_48, %dma_start3A_60] : memref<40x128xi32, #tpu.memory_space<vmem>> -> memref<1x128xi32, #tpu.memory_space<vmem>>
        %dma_start3A_62 = tpu.memref_squeeze %dma_start3A_61 : memref<1x128xi32, #tpu.memory_space<vmem>> -> memref<128xi32, #tpu.memory_space<vmem>>
        %dma_start3A_63 = arith.constant 0 : i32
        %dma_start3A_64 = arith.constant 0 : i32
        %dma_start3A_65 = tpu.memref_slice %arg11[%dma_start3A_63, %dma_start3A_64] : memref<10016x128xf32, #tpu.memory_space<vmem_shared>> -> memref<10016x128xf32, #tpu.memory_space<vmem_shared>>
        tpu.enqueue_indirect_dma source(%arg10 : memref<128x128xf32, #tpu.memory_space<vmem>>) target(%dma_start3A_65 : memref<10016x128xf32, #tpu.memory_space<vmem_shared>>) offsets(%dma_start3A_62 : memref<128xi32, #tpu.memory_space<vmem>>) semaphore(%run_scoped3A : memref<!tpu.dma_semaphore, #tpu.memory_space<semaphore_mem>>) {add = true}
        %dma_wait3A_66 = arith.constant 0 : i32
        %dma_wait3A_67 = tpu.memref_slice %arg7[%add3A_48, %dma_wait3A_66] : memref<40x128xi32, #tpu.memory_space<vmem>> -> memref<1x128xi32, #tpu.memory_space<vmem>>
        %dma_wait3A_68 = tpu.memref_squeeze %dma_wait3A_67 : memref<1x128xi32, #tpu.memory_space<vmem>> -> memref<128xi32, #tpu.memory_space<vmem>>
        %dma_wait3A_69 = arith.constant 0 : i32
        %dma_wait3A_70 = arith.constant 0 : i32
        %dma_wait3A_71 = tpu.memref_slice %arg11[%dma_wait3A_69, %dma_wait3A_70] : memref<10016x128xf32, #tpu.memory_space<vmem_shared>> -> memref<10016x128xf32, #tpu.memory_space<vmem_shared>>
        tpu.wait_indirect_dma semaphore(%run_scoped3A : memref<!tpu.dma_semaphore, #tpu.memory_space<semaphore_mem>>) src(%arg10 : memref<128x128xf32, #tpu.memory_space<vmem>>) dst(%dma_wait3A_71 : memref<10016x128xf32, #tpu.memory_space<vmem_shared>>)
        tpu.yield
      }) : () -> ()
      %lt3A_55 = arith.constant 19 : i32
      %lt3A_56 = arith.cmpi slt, %scan3A_33, %lt3A_55 : i32
      %convert_element_type3A_57 = arith.extui %lt3A_56 : i1 to i32
      %cond3A_58 = arith.constant 0 : i32
      %cond3A_59 = arith.cmpi ne, %convert_element_type3A_57, %cond3A_58 : i32
      scf.if %cond3A_59 {
        %add3A_60 = arith.constant 2 : i32
        %add3A_61 = arith.addi %add3A_48, %add3A_60 : i32
        %dma_start3A_62 = arith.constant 0 : i32
        %dma_start3A_63 = tpu.memref_slice %arg8[%add3A_61, %dma_start3A_62] : memref<40x128xi32, #tpu.memory_space<vmem>> -> memref<1x128xi32, #tpu.memory_space<vmem>>
        %dma_start3A_64 = tpu.memref_squeeze %dma_start3A_63 : memref<1x128xi32, #tpu.memory_space<vmem>> -> memref<128xi32, #tpu.memory_space<vmem>>
        %dma_start3A_65 = arith.constant 0 : i32
        %dma_start3A_66 = arith.constant 0 : i32
        %dma_start3A_67 = tpu.memref_slice %arg2[%dma_start3A_65, %dma_start3A_66] : memref<80000x128xf32, #tpu.memory_space<hbm>> -> memref<80000x128xf32, #tpu.memory_space<hbm>>
        tpu.enqueue_indirect_dma source(%dma_start3A_67 : memref<80000x128xf32, #tpu.memory_space<hbm>>) target(%arg10 : memref<128x128xf32, #tpu.memory_space<vmem>>) offsets(%dma_start3A_64 : memref<128xi32, #tpu.memory_space<vmem>>) semaphore(%arg13 : memref<!tpu.dma_semaphore, #tpu.memory_space<semaphore_mem>>)
      } else {
      }
    }
    %scan3A_22 = arith.constant 20 : i32
    %barrier3A_23 = arith.constant 0 : index
    tpu.barrier barrier_id(%barrier3A_23)
    %mul3A_24 = arith.constant 624 : i32
    %mul3A_25 = arith.muli %arg1, %mul3A_24 : i32
    %mul3A_26 = arith.constant 624 : i32
    %mul3A_27 = arith.muli %arg1, %mul3A_26 : i32
    "tpu.region"() ({
      %run_scoped3A = tpu.sem_alloc : memref<!tpu.dma_semaphore, #tpu.memory_space<semaphore_mem>>
      %dma_start3A_33 = arith.constant 0 : i32
      %dma_start3A_34 = tpu.memref_slice %arg6[%arg0, %mul3A_27, %dma_start3A_33] : memref<2x10000x128xf32, #tpu.memory_space<hbm>> -> memref<1x624x128xf32, #tpu.memory_space<hbm>>
      %dma_start3A_35 = tpu.memref_squeeze %dma_start3A_34 : memref<1x624x128xf32, #tpu.memory_space<hbm>> -> memref<624x128xf32, #tpu.memory_space<hbm>>
      %dma_start3A_36 = arith.constant 0 : i32
      %dma_start3A_37 = tpu.memref_slice %arg11[%mul3A_25, %dma_start3A_36] : memref<10016x128xf32, #tpu.memory_space<vmem_shared>> -> memref<624x128xf32, #tpu.memory_space<vmem_shared>>
      tpu.enqueue_dma source(%dma_start3A_37 : memref<624x128xf32, #tpu.memory_space<vmem_shared>>) target(%dma_start3A_35 : memref<624x128xf32, #tpu.memory_space<hbm>>) target_semaphore(%run_scoped3A : memref<!tpu.dma_semaphore, #tpu.memory_space<semaphore_mem>>)
      %dma_wait3A = arith.constant 0 : i32
      %dma_wait3A_38 = tpu.memref_slice %arg6[%arg0, %mul3A_27, %dma_wait3A] : memref<2x10000x128xf32, #tpu.memory_space<hbm>> -> memref<1x624x128xf32, #tpu.memory_space<hbm>>
      %dma_wait3A_39 = tpu.memref_squeeze %dma_wait3A_38 : memref<1x624x128xf32, #tpu.memory_space<hbm>> -> memref<624x128xf32, #tpu.memory_space<hbm>>
      %dma_wait3A_40 = arith.constant 0 : i32
      %dma_wait3A_41 = tpu.memref_slice %arg11[%mul3A_25, %dma_wait3A_40] : memref<10016x128xf32, #tpu.memory_space<vmem_shared>> -> memref<624x128xf32, #tpu.memory_space<vmem_shared>>
      tpu.wait_dma2 semaphore(%run_scoped3A : memref<!tpu.dma_semaphore, #tpu.memory_space<semaphore_mem>>) src(%dma_wait3A_41 : memref<624x128xf32, #tpu.memory_space<vmem_shared>>) dst(%dma_wait3A_39 : memref<624x128xf32, #tpu.memory_space<hbm>>)
      tpu.yield
    }) : () -> ()
    %eq3A_28 = arith.constant 15 : i32
    %eq3A_29 = arith.cmpi eq, %arg1, %eq3A_28 : i32
    %convert_element_type3A_30 = arith.extui %eq3A_29 : i1 to i32
    %cond3A_31 = arith.constant 0 : i32
    %cond3A_32 = arith.cmpi ne, %convert_element_type3A_30, %cond3A_31 : i32
    scf.if %cond3A_32 {
      "tpu.region"() ({
        %run_scoped3A = tpu.sem_alloc : memref<!tpu.dma_semaphore, #tpu.memory_space<semaphore_mem>>
        %dma_start3A_33 = arith.constant 9984 : i32
        %dma_start3A_34 = arith.constant 0 : i32
        %dma_start3A_35 = tpu.memref_slice %arg6[%arg0, %dma_start3A_33, %dma_start3A_34] : memref<2x10000x128xf32, #tpu.memory_space<hbm>> -> memref<1x16x128xf32, #tpu.memory_space<hbm>>
        %dma_start3A_36 = tpu.memref_squeeze %dma_start3A_35 : memref<1x16x128xf32, #tpu.memory_space<hbm>> -> memref<16x128xf32, #tpu.memory_space<hbm>>
        %dma_start3A_37 = arith.constant 9984 : i32
        %dma_start3A_38 = arith.constant 0 : i32
        %dma_start3A_39 = tpu.memref_slice %arg11[%dma_start3A_37, %dma_start3A_38] : memref<10016x128xf32, #tpu.memory_space<vmem_shared>> -> memref<16x128xf32, #tpu.memory_space<vmem_shared>>
        tpu.enqueue_dma source(%dma_start3A_39 : memref<16x128xf32, #tpu.memory_space<vmem_shared>>) target(%dma_start3A_36 : memref<16x128xf32, #tpu.memory_space<hbm>>) target_semaphore(%run_scoped3A : memref<!tpu.dma_semaphore, #tpu.memory_space<semaphore_mem>>)
        %dma_wait3A = arith.constant 9984 : i32
        %dma_wait3A_40 = arith.constant 0 : i32
        %dma_wait3A_41 = tpu.memref_slice %arg6[%arg0, %dma_wait3A, %dma_wait3A_40] : memref<2x10000x128xf32, #tpu.memory_space<hbm>> -> memref<1x16x128xf32, #tpu.memory_space<hbm>>
        %dma_wait3A_42 = tpu.memref_squeeze %dma_wait3A_41 : memref<1x16x128xf32, #tpu.memory_space<hbm>> -> memref<16x128xf32, #tpu.memory_space<hbm>>
        %dma_wait3A_43 = arith.constant 9984 : i32
        %dma_wait3A_44 = arith.constant 0 : i32
        %dma_wait3A_45 = tpu.memref_slice %arg11[%dma_wait3A_43, %dma_wait3A_44] : memref<10016x128xf32, #tpu.memory_space<vmem_shared>> -> memref<16x128xf32, #tpu.memory_space<vmem_shared>>
        tpu.wait_dma2 semaphore(%run_scoped3A : memref<!tpu.dma_semaphore, #tpu.memory_space<semaphore_mem>>) src(%dma_wait3A_45 : memref<16x128xf32, #tpu.memory_space<vmem_shared>>) dst(%dma_wait3A_42 : memref<16x128xf32, #tpu.memory_space<hbm>>)
        tpu.yield
      }) : () -> ()
    } else {
    }
    return
  }
}

#map = affine_map<(d0, d1) -> (0, 0)>
#map1 = affine_map<(d0, d1) -> (0, 0, 0)>
module attributes {stable_mosaic.version = 14 : i64} {
  func.func @_sc_body(%arg0: i32, %arg1: i32, %arg2: memref<80000x128xf32, #tpu.memory_space<hbm>>, %arg3: memref<32x40x128xi32, #tpu.memory_space<hbm>>, %arg4: memref<32x40x128xi32, #tpu.memory_space<hbm>>, %arg5: memref<624x128xf32, #tpu.memory_space<hbm>>, %arg6: memref<2x10000x128xf32, #tpu.memory_space<hbm>>, %arg7: memref<40x128xi32, #tpu.memory_space<vmem>>, %arg8: memref<40x128xi32, #tpu.memory_space<vmem>>, %arg9: memref<128x128xf32, #tpu.memory_space<vmem>>, %arg10: memref<128x128xf32, #tpu.memory_space<vmem>>, %arg11: memref<10016x128xf32, #tpu.memory_space<vmem_shared>>, %arg12: memref<!tpu.dma_semaphore, #tpu.memory_space<semaphore_mem>>, %arg13: memref<!tpu.dma_semaphore, #tpu.memory_space<semaphore_mem>>) attributes {dimension_semantics = [#tpu.dimension_semantics<core_parallel>, #tpu.dimension_semantics<subcore_parallel>], iteration_bounds = array<i64: 2, 16>, scalar_prefetch = 0 : i64, scratch_operands = 7 : i64, tpu.core_type = #tpu.core_type<sc_vector_subcore>, window_params = [{transform_indices = #map}, {transform_indices = #map1}, {transform_indices = #map1}, {transform_indices = #map}, {transform_indices = #map1}]} {
    %mul3A = arith.constant 16 : i32
    %mul3A_0 = arith.muli %arg0, %mul3A : i32
    %add3A = arith.addi %mul3A_0, %arg1 : i32
    "tpu.region"() ({
      %run_scoped3A = tpu.sem_alloc : memref<!tpu.dma_semaphore, #tpu.memory_space<semaphore_mem>>
      %dma_start3A_33 = arith.constant 0 : i32
      %dma_start3A_34 = arith.constant 0 : i32
      %dma_start3A_35 = tpu.memref_slice %arg3[%add3A, %dma_start3A_33, %dma_start3A_34] : memref<32x40x128xi32, #tpu.memory_space<hbm>> -> memref<1x40x128xi32, #tpu.memory_space<hbm>>
      %dma_start3A_36 = tpu.memref_squeeze %dma_start3A_35 : memref<1x40x128xi32, #tpu.memory_space<hbm>> -> memref<40x128xi32, #tpu.memory_space<hbm>>
      %dma_start3A_37 = arith.constant 0 : i32
      %dma_start3A_38 = arith.constant 0 : i32
      %dma_start3A_39 = tpu.memref_slice %arg3[%add3A, %dma_start3A_37, %dma_start3A_38] : memref<32x40x128xi32, #tpu.memory_space<hbm>> -> memref<1x40x128xi32, #tpu.memory_space<hbm>>
      %dma_start3A_40 = tpu.memref_squeeze %dma_start3A_39 : memref<1x40x128xi32, #tpu.memory_space<hbm>> -> memref<40x128xi32, #tpu.memory_space<hbm>>
      tpu.enqueue_dma source(%dma_start3A_40 : memref<40x128xi32, #tpu.memory_space<hbm>>) target(%arg8 : memref<40x128xi32, #tpu.memory_space<vmem>>) target_semaphore(%run_scoped3A : memref<!tpu.dma_semaphore, #tpu.memory_space<semaphore_mem>>)
      %dma_wait3A = arith.constant 0 : i32
      %dma_wait3A_41 = arith.constant 0 : i32
      %dma_wait3A_42 = tpu.memref_slice %arg3[%add3A, %dma_wait3A, %dma_wait3A_41] : memref<32x40x128xi32, #tpu.memory_space<hbm>> -> memref<1x40x128xi32, #tpu.memory_space<hbm>>
      %dma_wait3A_43 = tpu.memref_squeeze %dma_wait3A_42 : memref<1x40x128xi32, #tpu.memory_space<hbm>> -> memref<40x128xi32, #tpu.memory_space<hbm>>
      %dma_wait3A_44 = arith.constant 0 : i32
      %dma_wait3A_45 = arith.constant 0 : i32
      %dma_wait3A_46 = tpu.memref_slice %arg3[%add3A, %dma_wait3A_44, %dma_wait3A_45] : memref<32x40x128xi32, #tpu.memory_space<hbm>> -> memref<1x40x128xi32, #tpu.memory_space<hbm>>
      %dma_wait3A_47 = tpu.memref_squeeze %dma_wait3A_46 : memref<1x40x128xi32, #tpu.memory_space<hbm>> -> memref<40x128xi32, #tpu.memory_space<hbm>>
      tpu.wait_dma2 semaphore(%run_scoped3A : memref<!tpu.dma_semaphore, #tpu.memory_space<semaphore_mem>>) src(%dma_wait3A_47 : memref<40x128xi32, #tpu.memory_space<hbm>>) dst(%arg8 : memref<40x128xi32, #tpu.memory_space<vmem>>)
      tpu.yield
    }) : () -> ()
    %dma_start3A = arith.constant 0 : i32
    %dma_start3A_1 = arith.constant 0 : i32
    %dma_start3A_2 = tpu.memref_slice %arg8[%dma_start3A, %dma_start3A_1] : memref<40x128xi32, #tpu.memory_space<vmem>> -> memref<1x128xi32, #tpu.memory_space<vmem>>
    %dma_start3A_3 = tpu.memref_squeeze %dma_start3A_2 : memref<1x128xi32, #tpu.memory_space<vmem>> -> memref<128xi32, #tpu.memory_space<vmem>>
    %dma_start3A_4 = arith.constant 0 : i32
    %dma_start3A_5 = arith.constant 0 : i32
    %dma_start3A_6 = tpu.memref_slice %arg2[%dma_start3A_4, %dma_start3A_5] : memref<80000x128xf32, #tpu.memory_space<hbm>> -> memref<80000x128xf32, #tpu.memory_space<hbm>>
    tpu.enqueue_indirect_dma source(%dma_start3A_6 : memref<80000x128xf32, #tpu.memory_space<hbm>>) target(%arg9 : memref<128x128xf32, #tpu.memory_space<vmem>>) offsets(%dma_start3A_3 : memref<128xi32, #tpu.memory_space<vmem>>) semaphore(%arg12 : memref<!tpu.dma_semaphore, #tpu.memory_space<semaphore_mem>>)
    %dma_start3A_7 = arith.constant 1 : i32
    %dma_start3A_8 = arith.constant 0 : i32
    %dma_start3A_9 = tpu.memref_slice %arg8[%dma_start3A_7, %dma_start3A_8] : memref<40x128xi32, #tpu.memory_space<vmem>> -> memref<1x128xi32, #tpu.memory_space<vmem>>
    %dma_start3A_10 = tpu.memref_squeeze %dma_start3A_9 : memref<1x128xi32, #tpu.memory_space<vmem>> -> memref<128xi32, #tpu.memory_space<vmem>>
    %dma_start3A_11 = arith.constant 0 : i32
    %dma_start3A_12 = arith.constant 0 : i32
    %dma_start3A_13 = tpu.memref_slice %arg2[%dma_start3A_11, %dma_start3A_12] : memref<80000x128xf32, #tpu.memory_space<hbm>> -> memref<80000x128xf32, #tpu.memory_space<hbm>>
    tpu.enqueue_indirect_dma source(%dma_start3A_13 : memref<80000x128xf32, #tpu.memory_space<hbm>>) target(%arg10 : memref<128x128xf32, #tpu.memory_space<vmem>>) offsets(%dma_start3A_10 : memref<128xi32, #tpu.memory_space<vmem>>) semaphore(%arg13 : memref<!tpu.dma_semaphore, #tpu.memory_space<semaphore_mem>>)
    "tpu.region"() ({
      %run_scoped3A = tpu.sem_alloc : memref<!tpu.dma_semaphore, #tpu.memory_space<semaphore_mem>>
      %dma_start3A_33 = arith.constant 0 : i32
      %dma_start3A_34 = arith.constant 0 : i32
      %dma_start3A_35 = tpu.memref_slice %arg4[%add3A, %dma_start3A_33, %dma_start3A_34] : memref<32x40x128xi32, #tpu.memory_space<hbm>> -> memref<1x40x128xi32, #tpu.memory_space<hbm>>
      %dma_start3A_36 = tpu.memref_squeeze %dma_start3A_35 : memref<1x40x128xi32, #tpu.memory_space<hbm>> -> memref<40x128xi32, #tpu.memory_space<hbm>>
      %dma_start3A_37 = arith.constant 0 : i32
      %dma_start3A_38 = arith.constant 0 : i32
      %dma_start3A_39 = tpu.memref_slice %arg4[%add3A, %dma_start3A_37, %dma_start3A_38] : memref<32x40x128xi32, #tpu.memory_space<hbm>> -> memref<1x40x128xi32, #tpu.memory_space<hbm>>
      %dma_start3A_40 = tpu.memref_squeeze %dma_start3A_39 : memref<1x40x128xi32, #tpu.memory_space<hbm>> -> memref<40x128xi32, #tpu.memory_space<hbm>>
      tpu.enqueue_dma source(%dma_start3A_40 : memref<40x128xi32, #tpu.memory_space<hbm>>) target(%arg7 : memref<40x128xi32, #tpu.memory_space<vmem>>) target_semaphore(%run_scoped3A : memref<!tpu.dma_semaphore, #tpu.memory_space<semaphore_mem>>)
      %dma_wait3A = arith.constant 0 : i32
      %dma_wait3A_41 = arith.constant 0 : i32
      %dma_wait3A_42 = tpu.memref_slice %arg4[%add3A, %dma_wait3A, %dma_wait3A_41] : memref<32x40x128xi32, #tpu.memory_space<hbm>> -> memref<1x40x128xi32, #tpu.memory_space<hbm>>
      %dma_wait3A_43 = tpu.memref_squeeze %dma_wait3A_42 : memref<1x40x128xi32, #tpu.memory_space<hbm>> -> memref<40x128xi32, #tpu.memory_space<hbm>>
      %dma_wait3A_44 = arith.constant 0 : i32
      %dma_wait3A_45 = arith.constant 0 : i32
      %dma_wait3A_46 = tpu.memref_slice %arg4[%add3A, %dma_wait3A_44, %dma_wait3A_45] : memref<32x40x128xi32, #tpu.memory_space<hbm>> -> memref<1x40x128xi32, #tpu.memory_space<hbm>>
      %dma_wait3A_47 = tpu.memref_squeeze %dma_wait3A_46 : memref<1x40x128xi32, #tpu.memory_space<hbm>> -> memref<40x128xi32, #tpu.memory_space<hbm>>
      tpu.wait_dma2 semaphore(%run_scoped3A : memref<!tpu.dma_semaphore, #tpu.memory_space<semaphore_mem>>) src(%dma_wait3A_47 : memref<40x128xi32, #tpu.memory_space<hbm>>) dst(%arg7 : memref<40x128xi32, #tpu.memory_space<vmem>>)
      tpu.yield
    }) : () -> ()
    %mul3A_14 = arith.constant 624 : i32
    %mul3A_15 = arith.muli %arg1, %mul3A_14 : i32
    "tpu.region"() ({
      %run_scoped3A = tpu.sem_alloc : memref<!tpu.dma_semaphore, #tpu.memory_space<semaphore_mem>>
      %dma_start3A_33 = arith.constant 0 : i32
      %dma_start3A_34 = tpu.memref_slice %arg11[%mul3A_15, %dma_start3A_33] : memref<10016x128xf32, #tpu.memory_space<vmem_shared>> -> memref<624x128xf32, #tpu.memory_space<vmem_shared>>
      tpu.enqueue_dma source(%arg5 : memref<624x128xf32, #tpu.memory_space<hbm>>) target(%dma_start3A_34 : memref<624x128xf32, #tpu.memory_space<vmem_shared>>) target_semaphore(%run_scoped3A : memref<!tpu.dma_semaphore, #tpu.memory_space<semaphore_mem>>)
      %dma_wait3A = arith.constant 0 : i32
      %dma_wait3A_35 = tpu.memref_slice %arg11[%mul3A_15, %dma_wait3A] : memref<10016x128xf32, #tpu.memory_space<vmem_shared>> -> memref<624x128xf32, #tpu.memory_space<vmem_shared>>
      tpu.wait_dma2 semaphore(%run_scoped3A : memref<!tpu.dma_semaphore, #tpu.memory_space<semaphore_mem>>) src(%arg5 : memref<624x128xf32, #tpu.memory_space<hbm>>) dst(%dma_wait3A_35 : memref<624x128xf32, #tpu.memory_space<vmem_shared>>)
      tpu.yield
    }) : () -> ()
    %eq3A = arith.constant 15 : i32
    %eq3A_16 = arith.cmpi eq, %arg1, %eq3A : i32
    %convert_element_type3A = arith.extui %eq3A_16 : i1 to i32
    %cond3A = arith.constant 0 : i32
    %cond3A_17 = arith.cmpi ne, %convert_element_type3A, %cond3A : i32
    scf.if %cond3A_17 {
      "tpu.region"() ({
        %run_scoped3A = tpu.sem_alloc : memref<!tpu.dma_semaphore, #tpu.memory_space<semaphore_mem>>
        %dma_start3A_33 = arith.constant 9984 : i32
        %dma_start3A_34 = arith.constant 0 : i32
        %dma_start3A_35 = tpu.memref_slice %arg11[%dma_start3A_33, %dma_start3A_34] : memref<10016x128xf32, #tpu.memory_space<vmem_shared>> -> memref<32x128xf32, #tpu.memory_space<vmem_shared>>
        %dma_start3A_36 = arith.constant 0 : i32
        %dma_start3A_37 = arith.constant 0 : i32
        %dma_start3A_38 = tpu.memref_slice %arg5[%dma_start3A_36, %dma_start3A_37] : memref<624x128xf32, #tpu.memory_space<hbm>> -> memref<32x128xf32, #tpu.memory_space<hbm>>
        tpu.enqueue_dma source(%dma_start3A_38 : memref<32x128xf32, #tpu.memory_space<hbm>>) target(%dma_start3A_35 : memref<32x128xf32, #tpu.memory_space<vmem_shared>>) target_semaphore(%run_scoped3A : memref<!tpu.dma_semaphore, #tpu.memory_space<semaphore_mem>>)
        %dma_wait3A = arith.constant 9984 : i32
        %dma_wait3A_39 = arith.constant 0 : i32
        %dma_wait3A_40 = tpu.memref_slice %arg11[%dma_wait3A, %dma_wait3A_39] : memref<10016x128xf32, #tpu.memory_space<vmem_shared>> -> memref<32x128xf32, #tpu.memory_space<vmem_shared>>
        %dma_wait3A_41 = arith.constant 0 : i32
        %dma_wait3A_42 = arith.constant 0 : i32
        %dma_wait3A_43 = tpu.memref_slice %arg5[%dma_wait3A_41, %dma_wait3A_42] : memref<624x128xf32, #tpu.memory_space<hbm>> -> memref<32x128xf32, #tpu.memory_space<hbm>>
        tpu.wait_dma2 semaphore(%run_scoped3A : memref<!tpu.dma_semaphore, #tpu.memory_space<semaphore_mem>>) src(%dma_wait3A_43 : memref<32x128xf32, #tpu.memory_space<hbm>>) dst(%dma_wait3A_40 : memref<32x128xf32, #tpu.memory_space<vmem_shared>>)
        tpu.yield
      }) : () -> ()
    } else {
    }
    %barrier3A = arith.constant 0 : index
    tpu.barrier barrier_id(%barrier3A)
    %scan3A = arith.constant 0 : i32
    %scan3A_18 = arith.constant 0 : i32
    %scan3A_19 = arith.constant 20 : i32
    %scan3A_20 = arith.addi %scan3A_18, %scan3A_19 : i32
    %scan3A_21 = arith.constant 1 : i32
    scf.for %scan3A_33 = %scan3A_18 to %scan3A_20 step %scan3A_21  : i32 {
      %mul3A_34 = arith.constant 2 : i32
      %mul3A_35 = arith.muli %scan3A_33, %mul3A_34 : i32
      %add3A_36 = arith.constant 0 : i32
      %add3A_37 = arith.addi %mul3A_35, %add3A_36 : i32
      %dma_wait3A = arith.constant 0 : i32
      %dma_wait3A_38 = tpu.memref_slice %arg8[%add3A_37, %dma_wait3A] : memref<40x128xi32, #tpu.memory_space<vmem>> -> memref<1x128xi32, #tpu.memory_space<vmem>>
      %dma_wait3A_39 = tpu.memref_squeeze %dma_wait3A_38 : memref<1x128xi32, #tpu.memory_space<vmem>> -> memref<128xi32, #tpu.memory_space<vmem>>
      %dma_wait3A_40 = arith.constant 0 : i32
      %dma_wait3A_41 = arith.constant 0 : i32
      %dma_wait3A_42 = tpu.memref_slice %arg2[%dma_wait3A_40, %dma_wait3A_41] : memref<80000x128xf32, #tpu.memory_space<hbm>> -> memref<80000x128xf32, #tpu.memory_space<hbm>>
      tpu.wait_indirect_dma semaphore(%arg12 : memref<!tpu.dma_semaphore, #tpu.memory_space<semaphore_mem>>) src(%dma_wait3A_42 : memref<80000x128xf32, #tpu.memory_space<hbm>>) dst(%arg9 : memref<128x128xf32, #tpu.memory_space<vmem>>)
      "tpu.region"() ({
        %run_scoped3A = tpu.sem_alloc : memref<!tpu.dma_semaphore, #tpu.memory_space<semaphore_mem>>
        %dma_start3A_60 = arith.constant 0 : i32
        %dma_start3A_61 = tpu.memref_slice %arg7[%add3A_37, %dma_start3A_60] : memref<40x128xi32, #tpu.memory_space<vmem>> -> memref<1x128xi32, #tpu.memory_space<vmem>>
        %dma_start3A_62 = tpu.memref_squeeze %dma_start3A_61 : memref<1x128xi32, #tpu.memory_space<vmem>> -> memref<128xi32, #tpu.memory_space<vmem>>
        %dma_start3A_63 = arith.constant 0 : i32
        %dma_start3A_64 = arith.constant 0 : i32
        %dma_start3A_65 = tpu.memref_slice %arg11[%dma_start3A_63, %dma_start3A_64] : memref<10016x128xf32, #tpu.memory_space<vmem_shared>> -> memref<10016x128xf32, #tpu.memory_space<vmem_shared>>
        tpu.enqueue_indirect_dma source(%arg9 : memref<128x128xf32, #tpu.memory_space<vmem>>) target(%dma_start3A_65 : memref<10016x128xf32, #tpu.memory_space<vmem_shared>>) offsets(%dma_start3A_62 : memref<128xi32, #tpu.memory_space<vmem>>) semaphore(%run_scoped3A : memref<!tpu.dma_semaphore, #tpu.memory_space<semaphore_mem>>) {add = true}
        %dma_wait3A_66 = arith.constant 0 : i32
        %dma_wait3A_67 = tpu.memref_slice %arg7[%add3A_37, %dma_wait3A_66] : memref<40x128xi32, #tpu.memory_space<vmem>> -> memref<1x128xi32, #tpu.memory_space<vmem>>
        %dma_wait3A_68 = tpu.memref_squeeze %dma_wait3A_67 : memref<1x128xi32, #tpu.memory_space<vmem>> -> memref<128xi32, #tpu.memory_space<vmem>>
        %dma_wait3A_69 = arith.constant 0 : i32
        %dma_wait3A_70 = arith.constant 0 : i32
        %dma_wait3A_71 = tpu.memref_slice %arg11[%dma_wait3A_69, %dma_wait3A_70] : memref<10016x128xf32, #tpu.memory_space<vmem_shared>> -> memref<10016x128xf32, #tpu.memory_space<vmem_shared>>
        tpu.wait_indirect_dma semaphore(%run_scoped3A : memref<!tpu.dma_semaphore, #tpu.memory_space<semaphore_mem>>) src(%arg9 : memref<128x128xf32, #tpu.memory_space<vmem>>) dst(%dma_wait3A_71 : memref<10016x128xf32, #tpu.memory_space<vmem_shared>>)
        tpu.yield
      }) : () -> ()
      %lt3A = arith.constant 19 : i32
      %lt3A_43 = arith.cmpi slt, %scan3A_33, %lt3A : i32
      %convert_element_type3A_44 = arith.extui %lt3A_43 : i1 to i32
      %cond3A_45 = arith.constant 0 : i32
      %cond3A_46 = arith.cmpi ne, %convert_element_type3A_44, %cond3A_45 : i32
      scf.if %cond3A_46 {
        %add3A_60 = arith.constant 2 : i32
        %add3A_61 = arith.addi %add3A_37, %add3A_60 : i32
        %dma_start3A_62 = arith.constant 0 : i32
        %dma_start3A_63 = tpu.memref_slice %arg8[%add3A_61, %dma_start3A_62] : memref<40x128xi32, #tpu.memory_space<vmem>> -> memref<1x128xi32, #tpu.memory_space<vmem>>
        %dma_start3A_64 = tpu.memref_squeeze %dma_start3A_63 : memref<1x128xi32, #tpu.memory_space<vmem>> -> memref<128xi32, #tpu.memory_space<vmem>>
        %dma_start3A_65 = arith.constant 0 : i32
        %dma_start3A_66 = arith.constant 0 : i32
        %dma_start3A_67 = tpu.memref_slice %arg2[%dma_start3A_65, %dma_start3A_66] : memref<80000x128xf32, #tpu.memory_space<hbm>> -> memref<80000x128xf32, #tpu.memory_space<hbm>>
        tpu.enqueue_indirect_dma source(%dma_start3A_67 : memref<80000x128xf32, #tpu.memory_space<hbm>>) target(%arg9 : memref<128x128xf32, #tpu.memory_space<vmem>>) offsets(%dma_start3A_64 : memref<128xi32, #tpu.memory_space<vmem>>) semaphore(%arg12 : memref<!tpu.dma_semaphore, #tpu.memory_space<semaphore_mem>>)
      } else {
      }
      %add3A_47 = arith.constant 1 : i32
      %add3A_48 = arith.addi %mul3A_35, %add3A_47 : i32
      %dma_wait3A_49 = arith.constant 0 : i32
      %dma_wait3A_50 = tpu.memref_slice %arg8[%add3A_48, %dma_wait3A_49] : memref<40x128xi32, #tpu.memory_space<vmem>> -> memref<1x128xi32, #tpu.memory_space<vmem>>
      %dma_wait3A_51 = tpu.memref_squeeze %dma_wait3A_50 : memref<1x128xi32, #tpu.memory_space<vmem>> -> memref<128xi32, #tpu.memory_space<vmem>>
      %dma_wait3A_52 = arith.constant 0 : i32
      %dma_wait3A_53 = arith.constant 0 : i32
      %dma_wait3A_54 = tpu.memref_slice %arg2[%dma_wait3A_52, %dma_wait3A_53] : memref<80000x128xf32, #tpu.memory_space<hbm>> -> memref<80000x128xf32, #tpu.memory_space<hbm>>
      tpu.wait_indirect_dma semaphore(%arg13 : memref<!tpu.dma_semaphore, #tpu.memory_space<semaphore_mem>>) src(%dma_wait3A_54 : memref<80000x128xf32, #tpu.memory_space<hbm>>) dst(%arg10 : memref<128x128xf32, #tpu.memory_space<vmem>>)
      "tpu.region"() ({
        %run_scoped3A = tpu.sem_alloc : memref<!tpu.dma_semaphore, #tpu.memory_space<semaphore_mem>>
        %dma_start3A_60 = arith.constant 0 : i32
        %dma_start3A_61 = tpu.memref_slice %arg7[%add3A_48, %dma_start3A_60] : memref<40x128xi32, #tpu.memory_space<vmem>> -> memref<1x128xi32, #tpu.memory_space<vmem>>
        %dma_start3A_62 = tpu.memref_squeeze %dma_start3A_61 : memref<1x128xi32, #tpu.memory_space<vmem>> -> memref<128xi32, #tpu.memory_space<vmem>>
        %dma_start3A_63 = arith.constant 0 : i32
        %dma_start3A_64 = arith.constant 0 : i32
        %dma_start3A_65 = tpu.memref_slice %arg11[%dma_start3A_63, %dma_start3A_64] : memref<10016x128xf32, #tpu.memory_space<vmem_shared>> -> memref<10016x128xf32, #tpu.memory_space<vmem_shared>>
        tpu.enqueue_indirect_dma source(%arg10 : memref<128x128xf32, #tpu.memory_space<vmem>>) target(%dma_start3A_65 : memref<10016x128xf32, #tpu.memory_space<vmem_shared>>) offsets(%dma_start3A_62 : memref<128xi32, #tpu.memory_space<vmem>>) semaphore(%run_scoped3A : memref<!tpu.dma_semaphore, #tpu.memory_space<semaphore_mem>>) {add = true}
        %dma_wait3A_66 = arith.constant 0 : i32
        %dma_wait3A_67 = tpu.memref_slice %arg7[%add3A_48, %dma_wait3A_66] : memref<40x128xi32, #tpu.memory_space<vmem>> -> memref<1x128xi32, #tpu.memory_space<vmem>>
        %dma_wait3A_68 = tpu.memref_squeeze %dma_wait3A_67 : memref<1x128xi32, #tpu.memory_space<vmem>> -> memref<128xi32, #tpu.memory_space<vmem>>
        %dma_wait3A_69 = arith.constant 0 : i32
        %dma_wait3A_70 = arith.constant 0 : i32
        %dma_wait3A_71 = tpu.memref_slice %arg11[%dma_wait3A_69, %dma_wait3A_70] : memref<10016x128xf32, #tpu.memory_space<vmem_shared>> -> memref<10016x128xf32, #tpu.memory_space<vmem_shared>>
        tpu.wait_indirect_dma semaphore(%run_scoped3A : memref<!tpu.dma_semaphore, #tpu.memory_space<semaphore_mem>>) src(%arg10 : memref<128x128xf32, #tpu.memory_space<vmem>>) dst(%dma_wait3A_71 : memref<10016x128xf32, #tpu.memory_space<vmem_shared>>)
        tpu.yield
      }) : () -> ()
      %lt3A_55 = arith.constant 19 : i32
      %lt3A_56 = arith.cmpi slt, %scan3A_33, %lt3A_55 : i32
      %convert_element_type3A_57 = arith.extui %lt3A_56 : i1 to i32
      %cond3A_58 = arith.constant 0 : i32
      %cond3A_59 = arith.cmpi ne, %convert_element_type3A_57, %cond3A_58 : i32
      scf.if %cond3A_59 {
        %add3A_60 = arith.constant 2 : i32
        %add3A_61 = arith.addi %add3A_48, %add3A_60 : i32
        %dma_start3A_62 = arith.constant 0 : i32
        %dma_start3A_63 = tpu.memref_slice %arg8[%add3A_61, %dma_start3A_62] : memref<40x128xi32, #tpu.memory_space<vmem>> -> memref<1x128xi32, #tpu.memory_space<vmem>>
        %dma_start3A_64 = tpu.memref_squeeze %dma_start3A_63 : memref<1x128xi32, #tpu.memory_space<vmem>> -> memref<128xi32, #tpu.memory_space<vmem>>
        %dma_start3A_65 = arith.constant 0 : i32
        %dma_start3A_66 = arith.constant 0 : i32
        %dma_start3A_67 = tpu.memref_slice %arg2[%dma_start3A_65, %dma_start3A_66] : memref<80000x128xf32, #tpu.memory_space<hbm>> -> memref<80000x128xf32, #tpu.memory_space<hbm>>
        tpu.enqueue_indirect_dma source(%dma_start3A_67 : memref<80000x128xf32, #tpu.memory_space<hbm>>) target(%arg10 : memref<128x128xf32, #tpu.memory_space<vmem>>) offsets(%dma_start3A_64 : memref<128xi32, #tpu.memory_space<vmem>>) semaphore(%arg13 : memref<!tpu.dma_semaphore, #tpu.memory_space<semaphore_mem>>)
      } else {
      }
    }
    %scan3A_22 = arith.constant 20 : i32
    %barrier3A_23 = arith.constant 0 : index
    tpu.barrier barrier_id(%barrier3A_23)
    %mul3A_24 = arith.constant 624 : i32
    %mul3A_25 = arith.muli %arg1, %mul3A_24 : i32
    %mul3A_26 = arith.constant 624 : i32
    %mul3A_27 = arith.muli %arg1, %mul3A_26 : i32
    "tpu.region"() ({
      %run_scoped3A = tpu.sem_alloc : memref<!tpu.dma_semaphore, #tpu.memory_space<semaphore_mem>>
      %dma_start3A_33 = arith.constant 0 : i32
      %dma_start3A_34 = tpu.memref_slice %arg6[%arg0, %mul3A_27, %dma_start3A_33] : memref<2x10000x128xf32, #tpu.memory_space<hbm>> -> memref<1x624x128xf32, #tpu.memory_space<hbm>>
      %dma_start3A_35 = tpu.memref_squeeze %dma_start3A_34 : memref<1x624x128xf32, #tpu.memory_space<hbm>> -> memref<624x128xf32, #tpu.memory_space<hbm>>
      %dma_start3A_36 = arith.constant 0 : i32
      %dma_start3A_37 = tpu.memref_slice %arg11[%mul3A_25, %dma_start3A_36] : memref<10016x128xf32, #tpu.memory_space<vmem_shared>> -> memref<624x128xf32, #tpu.memory_space<vmem_shared>>
      tpu.enqueue_dma source(%dma_start3A_37 : memref<624x128xf32, #tpu.memory_space<vmem_shared>>) target(%dma_start3A_35 : memref<624x128xf32, #tpu.memory_space<hbm>>) target_semaphore(%run_scoped3A : memref<!tpu.dma_semaphore, #tpu.memory_space<semaphore_mem>>)
      %dma_wait3A = arith.constant 0 : i32
      %dma_wait3A_38 = tpu.memref_slice %arg6[%arg0, %mul3A_27, %dma_wait3A] : memref<2x10000x128xf32, #tpu.memory_space<hbm>> -> memref<1x624x128xf32, #tpu.memory_space<hbm>>
      %dma_wait3A_39 = tpu.memref_squeeze %dma_wait3A_38 : memref<1x624x128xf32, #tpu.memory_space<hbm>> -> memref<624x128xf32, #tpu.memory_space<hbm>>
      %dma_wait3A_40 = arith.constant 0 : i32
      %dma_wait3A_41 = tpu.memref_slice %arg11[%mul3A_25, %dma_wait3A_40] : memref<10016x128xf32, #tpu.memory_space<vmem_shared>> -> memref<624x128xf32, #tpu.memory_space<vmem_shared>>
      tpu.wait_dma2 semaphore(%run_scoped3A : memref<!tpu.dma_semaphore, #tpu.memory_space<semaphore_mem>>) src(%dma_wait3A_41 : memref<624x128xf32, #tpu.memory_space<vmem_shared>>) dst(%dma_wait3A_39 : memref<624x128xf32, #tpu.memory_space<hbm>>)
      tpu.yield
    }) : () -> ()
    %eq3A_28 = arith.constant 15 : i32
    %eq3A_29 = arith.cmpi eq, %arg1, %eq3A_28 : i32
    %convert_element_type3A_30 = arith.extui %eq3A_29 : i1 to i32
    %cond3A_31 = arith.constant 0 : i32
    %cond3A_32 = arith.cmpi ne, %convert_element_type3A_30, %cond3A_31 : i32
    scf.if %cond3A_32 {
      "tpu.region"() ({
        %run_scoped3A = tpu.sem_alloc : memref<!tpu.dma_semaphore, #tpu.memory_space<semaphore_mem>>
        %dma_start3A_33 = arith.constant 9984 : i32
        %dma_start3A_34 = arith.constant 0 : i32
        %dma_start3A_35 = tpu.memref_slice %arg6[%arg0, %dma_start3A_33, %dma_start3A_34] : memref<2x10000x128xf32, #tpu.memory_space<hbm>> -> memref<1x16x128xf32, #tpu.memory_space<hbm>>
        %dma_start3A_36 = tpu.memref_squeeze %dma_start3A_35 : memref<1x16x128xf32, #tpu.memory_space<hbm>> -> memref<16x128xf32, #tpu.memory_space<hbm>>
        %dma_start3A_37 = arith.constant 9984 : i32
        %dma_start3A_38 = arith.constant 0 : i32
        %dma_start3A_39 = tpu.memref_slice %arg11[%dma_start3A_37, %dma_start3A_38] : memref<10016x128xf32, #tpu.memory_space<vmem_shared>> -> memref<16x128xf32, #tpu.memory_space<vmem_shared>>
        tpu.enqueue_dma source(%dma_start3A_39 : memref<16x128xf32, #tpu.memory_space<vmem_shared>>) target(%dma_start3A_36 : memref<16x128xf32, #tpu.memory_space<hbm>>) target_semaphore(%run_scoped3A : memref<!tpu.dma_semaphore, #tpu.memory_space<semaphore_mem>>)
        %dma_wait3A = arith.constant 9984 : i32
        %dma_wait3A_40 = arith.constant 0 : i32
        %dma_wait3A_41 = tpu.memref_slice %arg6[%arg0, %dma_wait3A, %dma_wait3A_40] : memref<2x10000x128xf32, #tpu.memory_space<hbm>> -> memref<1x16x128xf32, #tpu.memory_space<hbm>>
        %dma_wait3A_42 = tpu.memref_squeeze %dma_wait3A_41 : memref<1x16x128xf32, #tpu.memory_space<hbm>> -> memref<16x128xf32, #tpu.memory_space<hbm>>
        %dma_wait3A_43 = arith.constant 9984 : i32
        %dma_wait3A_44 = arith.constant 0 : i32
        %dma_wait3A_45 = tpu.memref_slice %arg11[%dma_wait3A_43, %dma_wait3A_44] : memref<10016x128xf32, #tpu.memory_space<vmem_shared>> -> memref<16x128xf32, #tpu.memory_space<vmem_shared>>
        tpu.wait_dma2 semaphore(%run_scoped3A : memref<!tpu.dma_semaphore, #tpu.memory_space<semaphore_mem>>) src(%dma_wait3A_45 : memref<16x128xf32, #tpu.memory_space<vmem_shared>>) dst(%dma_wait3A_42 : memref<16x128xf32, #tpu.memory_space<hbm>>)
        tpu.yield
      }) : () -> ()
    } else {
    }
    return
  }
}

module attributes {stable_mosaic.version = 14 : i64} {
  func.func @body(%arg0: memref<32x5120xi32, #tpu.memory_space<vmem>>, %arg1: memref<32x5120xi32, #tpu.memory_space<vmem>>, %arg2: memref<32x5120xi32, #tpu.memory_space<vmem>>) attributes {dimension_semantics = [], scalar_prefetch = 0 : i64, scratch_operands = 0 : i64, tpu.core_type = #tpu.core_type<tc>} {
    %get3A = arith.constant 0 : index
    %get3A_0 = arith.constant 0 : index
    %get3A_1 = vector.load %arg1[%get3A, %get3A_0] : memref<32x5120xi32, #tpu.memory_space<vmem>>, vector<32x5120xi32>
    %mul3A = arith.constant 10000 : i32
    %mul3A_2 = vector.broadcast %mul3A : i32 to vector<32x5120xi32>
    %mul3A_3 = arith.muli %get3A_1, %mul3A_2 : vector<32x5120xi32>
    %get3A_4 = arith.constant 0 : index
    %get3A_5 = arith.constant 0 : index
    %get3A_6 = vector.load %arg0[%get3A_4, %get3A_5] : memref<32x5120xi32, #tpu.memory_space<vmem>>, vector<32x5120xi32>
    %add3A = arith.addi %mul3A_3, %get3A_6 : vector<32x5120xi32>
    %swap3A = arith.constant 0 : index
    %swap3A_7 = arith.constant 0 : index
    %swap3A_8 = vector.load %arg2[%swap3A, %swap3A_7] : memref<32x5120xi32, #tpu.memory_space<vmem>>, vector<32x5120xi32>
    tpu.vector_store %arg2[%swap3A, %swap3A_7], %add3A {strides = array<i32>} : memref<32x5120xi32, #tpu.memory_space<vmem>>, vector<32x5120xi32>,
    return
  }
}

module attributes {stable_mosaic.version = 14 : i64} {
  func.func @body(%arg0: i32, %arg1: memref<2000x128xf32, #tpu.memory_space<vmem>>, %arg2: memref<8x2xf32, #tpu.memory_space<smem>>, %arg3: memref<2x128x128xf32, #tpu.memory_space<vmem>>, %arg4: memref<128x128xf32, #tpu.memory_space<vmem>>, %arg5: memref<1x128xf32, #tpu.memory_space<vmem>>, %arg6: memref<8x2000x128xf32, #tpu.memory_space<vmem>>, %arg7: memref<2000x128xf32, #tpu.memory_space<vmem>>) attributes {dimension_semantics = [#tpu.dimension_semantics<arbitrary>], iteration_bounds = array<i64: 5>, scalar_prefetch = 0 : i64, scratch_operands = 0 : i64, tpu.core_type = #tpu.core_type<tc>, window_params = [{transform_indices = @transform_0, window_bounds = array<i64: 2000, 128>}, {transform_indices = @transform_1, window_bounds = array<i64: 8, 2>}, {pipeline_mode = #tpu.pipeline_mode<synchronous>, transform_indices = @transform_2, window_bounds = array<i64: 2, 128, 128>}, {pipeline_mode = #tpu.pipeline_mode<synchronous>, transform_indices = @transform_3, window_bounds = array<i64: 128, 128>}, {pipeline_mode = #tpu.pipeline_mode<synchronous>, transform_indices = @transform_4, window_bounds = array<i64: 1, 128>}, {transform_indices = @transform_5, window_bounds = array<i64: 8, 2000, 128>}, {transform_indices = @transform_6, window_bounds = array<i64: 2000, 128>}]} {
    %get3A = arith.constant 0 : index
    %get3A_0 = arith.constant 0 : index
    %get3A_1 = vector.load %arg1[%get3A, %get3A_0] : memref<2000x128xf32, #tpu.memory_space<vmem>>, vector<2000x128xf32>
    %get3A_2 = arith.constant 0 : index
    %get3A_3 = arith.constant 0 : index
    %get3A_4 = memref.load %arg2[%get3A_2, %get3A_3] : memref<8x2xf32, #tpu.memory_space<smem>>
    %get3A_5 = arith.constant 0 : index
    %get3A_6 = arith.constant 0 : index
    %get3A_7 = arith.constant 0 : index
    %get3A_8 = vector.load %arg3[%get3A_5, %get3A_6, %get3A_7] : memref<2x128x128xf32, #tpu.memory_space<vmem>>, vector<1x128x128xf32>
    %get3A_9 = vector.shape_cast %get3A_8 : vector<1x128x128xf32> to vector<128x128xf32>
    %mul3A = vector.broadcast %get3A_4 : f32 to vector<128x128xf32>
    %mul3A_10 = arith.mulf %mul3A, %get3A_9 : vector<128x128xf32>
    %get3A_11 = arith.constant 0 : index
    %get3A_12 = arith.constant 1 : index
    %get3A_13 = memref.load %arg2[%get3A_11, %get3A_12] : memref<8x2xf32, #tpu.memory_space<smem>>
    %get3A_14 = arith.constant 1 : index
    %get3A_15 = arith.constant 0 : index
    %get3A_16 = arith.constant 0 : index
    %get3A_17 = vector.load %arg3[%get3A_14, %get3A_15, %get3A_16] : memref<2x128x128xf32, #tpu.memory_space<vmem>>, vector<1x128x128xf32>
    %get3A_18 = vector.shape_cast %get3A_17 : vector<1x128x128xf32> to vector<128x128xf32>
    %mul3A_19 = vector.broadcast %get3A_13 : f32 to vector<128x128xf32>
    %mul3A_20 = arith.mulf %mul3A_19, %get3A_18 : vector<128x128xf32>
    %add3A = arith.addf %mul3A_10, %mul3A_20 : vector<128x128xf32>
    %dot_general3A = arith.constant dense<0.000000e+00> : vector<2000x128xf32>
    %dot_general3A_21 = tpu.matmul %get3A_1, %add3A, %dot_general3A {dimension_numbers = #tpu.dot_dimension_numbers<[1], [0], [0], [1], [0, 0, 1, 1], [], []>, transpose_lhs_hint = false} : vector<2000x128xf32>, vector<128x128xf32>, vector<2000x128xf32> -> vector<2000x128xf32>
    %swap3A = arith.constant 0 : index
    %swap3A_22 = arith.constant 0 : index
    %swap3A_23 = arith.constant 0 : index
    %swap3A_24 = vector.load %arg6[%swap3A, %swap3A_22, %swap3A_23] : memref<8x2000x128xf32, #tpu.memory_space<vmem>>, vector<1x2000x128xf32>
    %swap3A_25 = vector.shape_cast %swap3A_24 : vector<1x2000x128xf32> to vector<2000x128xf32>
    %swap3A_26 = vector.shape_cast %dot_general3A_21 : vector<2000x128xf32> to vector<1x2000x128xf32>
    tpu.vector_store %arg6[%swap3A, %swap3A_22, %swap3A_23], %swap3A_26 {strides = array<i32>} : memref<8x2000x128xf32, #tpu.memory_space<vmem>>, vector<1x2000x128xf32>,
    %get3A_27 = arith.constant 1 : index
    %get3A_28 = arith.constant 0 : index
    %get3A_29 = memref.load %arg2[%get3A_27, %get3A_28] : memref<8x2xf32, #tpu.memory_space<smem>>
    %get3A_30 = arith.constant 0 : index
    %get3A_31 = arith.constant 0 : index
    %get3A_32 = arith.constant 0 : index
    %get3A_33 = vector.load %arg3[%get3A_30, %get3A_31, %get3A_32] : memref<2x128x128xf32, #tpu.memory_space<vmem>>, vector<1x128x128xf32>
    %get3A_34 = vector.shape_cast %get3A_33 : vector<1x128x128xf32> to vector<128x128xf32>
    %mul3A_35 = vector.broadcast %get3A_29 : f32 to vector<128x128xf32>
    %mul3A_36 = arith.mulf %mul3A_35, %get3A_34 : vector<128x128xf32>
    %get3A_37 = arith.constant 1 : index
    %get3A_38 = arith.constant 1 : index
    %get3A_39 = memref.load %arg2[%get3A_37, %get3A_38] : memref<8x2xf32, #tpu.memory_space<smem>>
    %get3A_40 = arith.constant 1 : index
    %get3A_41 = arith.constant 0 : index
    %get3A_42 = arith.constant 0 : index
    %get3A_43 = vector.load %arg3[%get3A_40, %get3A_41, %get3A_42] : memref<2x128x128xf32, #tpu.memory_space<vmem>>, vector<1x128x128xf32>
    %get3A_44 = vector.shape_cast %get3A_43 : vector<1x128x128xf32> to vector<128x128xf32>
    %mul3A_45 = vector.broadcast %get3A_39 : f32 to vector<128x128xf32>
    %mul3A_46 = arith.mulf %mul3A_45, %get3A_44 : vector<128x128xf32>
    %add3A_47 = arith.addf %mul3A_36, %mul3A_46 : vector<128x128xf32>
    %dot_general3A_48 = arith.constant dense<0.000000e+00> : vector<2000x128xf32>
    %dot_general3A_49 = tpu.matmul %get3A_1, %add3A_47, %dot_general3A_48 {dimension_numbers = #tpu.dot_dimension_numbers<[1], [0], [0], [1], [0, 0, 1, 1], [], []>, transpose_lhs_hint = false} : vector<2000x128xf32>, vector<128x128xf32>, vector<2000x128xf32> -> vector<2000x128xf32>
    %swap3A_50 = arith.constant 1 : index
    %swap3A_51 = arith.constant 0 : index
    %swap3A_52 = arith.constant 0 : index
    %swap3A_53 = vector.load %arg6[%swap3A_50, %swap3A_51, %swap3A_52] : memref<8x2000x128xf32, #tpu.memory_space<vmem>>, vector<1x2000x128xf32>
    %swap3A_54 = vector.shape_cast %swap3A_53 : vector<1x2000x128xf32> to vector<2000x128xf32>
    %swap3A_55 = vector.shape_cast %dot_general3A_49 : vector<2000x128xf32> to vector<1x2000x128xf32>
    tpu.vector_store %arg6[%swap3A_50, %swap3A_51, %swap3A_52], %swap3A_55 {strides = array<i32>} : memref<8x2000x128xf32, #tpu.memory_space<vmem>>, vector<1x2000x128xf32>,
    %get3A_56 = arith.constant 2 : index
    %get3A_57 = arith.constant 0 : index
    %get3A_58 = memref.load %arg2[%get3A_56, %get3A_57] : memref<8x2xf32, #tpu.memory_space<smem>>
    %get3A_59 = arith.constant 0 : index
    %get3A_60 = arith.constant 0 : index
    %get3A_61 = arith.constant 0 : index
    %get3A_62 = vector.load %arg3[%get3A_59, %get3A_60, %get3A_61] : memref<2x128x128xf32, #tpu.memory_space<vmem>>, vector<1x128x128xf32>
    %get3A_63 = vector.shape_cast %get3A_62 : vector<1x128x128xf32> to vector<128x128xf32>
    %mul3A_64 = vector.broadcast %get3A_58 : f32 to vector<128x128xf32>
    %mul3A_65 = arith.mulf %mul3A_64, %get3A_63 : vector<128x128xf32>
    %get3A_66 = arith.constant 2 : index
    %get3A_67 = arith.constant 1 : index
    %get3A_68 = memref.load %arg2[%get3A_66, %get3A_67] : memref<8x2xf32, #tpu.memory_space<smem>>
    %get3A_69 = arith.constant 1 : index
    %get3A_70 = arith.constant 0 : index
    %get3A_71 = arith.constant 0 : index
    %get3A_72 = vector.load %arg3[%get3A_69, %get3A_70, %get3A_71] : memref<2x128x128xf32, #tpu.memory_space<vmem>>, vector<1x128x128xf32>
    %get3A_73 = vector.shape_cast %get3A_72 : vector<1x128x128xf32> to vector<128x128xf32>
    %mul3A_74 = vector.broadcast %get3A_68 : f32 to vector<128x128xf32>
    %mul3A_75 = arith.mulf %mul3A_74, %get3A_73 : vector<128x128xf32>
    %add3A_76 = arith.addf %mul3A_65, %mul3A_75 : vector<128x128xf32>
    %dot_general3A_77 = arith.constant dense<0.000000e+00> : vector<2000x128xf32>
    %dot_general3A_78 = tpu.matmul %get3A_1, %add3A_76, %dot_general3A_77 {dimension_numbers = #tpu.dot_dimension_numbers<[1], [0], [0], [1], [0, 0, 1, 1], [], []>, transpose_lhs_hint = false} : vector<2000x128xf32>, vector<128x128xf32>, vector<2000x128xf32> -> vector<2000x128xf32>
    %swap3A_79 = arith.constant 2 : index
    %swap3A_80 = arith.constant 0 : index
    %swap3A_81 = arith.constant 0 : index
    %swap3A_82 = vector.load %arg6[%swap3A_79, %swap3A_80, %swap3A_81] : memref<8x2000x128xf32, #tpu.memory_space<vmem>>, vector<1x2000x128xf32>
    %swap3A_83 = vector.shape_cast %swap3A_82 : vector<1x2000x128xf32> to vector<2000x128xf32>
    %swap3A_84 = vector.shape_cast %dot_general3A_78 : vector<2000x128xf32> to vector<1x2000x128xf32>
    tpu.vector_store %arg6[%swap3A_79, %swap3A_80, %swap3A_81], %swap3A_84 {strides = array<i32>} : memref<8x2000x128xf32, #tpu.memory_space<vmem>>, vector<1x2000x128xf32>,
    %get3A_85 = arith.constant 3 : index
    %get3A_86 = arith.constant 0 : index
    %get3A_87 = memref.load %arg2[%get3A_85, %get3A_86] : memref<8x2xf32, #tpu.memory_space<smem>>
    %get3A_88 = arith.constant 0 : index
    %get3A_89 = arith.constant 0 : index
    %get3A_90 = arith.constant 0 : index
    %get3A_91 = vector.load %arg3[%get3A_88, %get3A_89, %get3A_90] : memref<2x128x128xf32, #tpu.memory_space<vmem>>, vector<1x128x128xf32>
    %get3A_92 = vector.shape_cast %get3A_91 : vector<1x128x128xf32> to vector<128x128xf32>
    %mul3A_93 = vector.broadcast %get3A_87 : f32 to vector<128x128xf32>
    %mul3A_94 = arith.mulf %mul3A_93, %get3A_92 : vector<128x128xf32>
    %get3A_95 = arith.constant 3 : index
    %get3A_96 = arith.constant 1 : index
    %get3A_97 = memref.load %arg2[%get3A_95, %get3A_96] : memref<8x2xf32, #tpu.memory_space<smem>>
    %get3A_98 = arith.constant 1 : index
    %get3A_99 = arith.constant 0 : index
    %get3A_100 = arith.constant 0 : index
    %get3A_101 = vector.load %arg3[%get3A_98, %get3A_99, %get3A_100] : memref<2x128x128xf32, #tpu.memory_space<vmem>>, vector<1x128x128xf32>
    %get3A_102 = vector.shape_cast %get3A_101 : vector<1x128x128xf32> to vector<128x128xf32>
    %mul3A_103 = vector.broadcast %get3A_97 : f32 to vector<128x128xf32>
    %mul3A_104 = arith.mulf %mul3A_103, %get3A_102 : vector<128x128xf32>
    %add3A_105 = arith.addf %mul3A_94, %mul3A_104 : vector<128x128xf32>
    %dot_general3A_106 = arith.constant dense<0.000000e+00> : vector<2000x128xf32>
    %dot_general3A_107 = tpu.matmul %get3A_1, %add3A_105, %dot_general3A_106 {dimension_numbers = #tpu.dot_dimension_numbers<[1], [0], [0], [1], [0, 0, 1, 1], [], []>, transpose_lhs_hint = false} : vector<2000x128xf32>, vector<128x128xf32>, vector<2000x128xf32> -> vector<2000x128xf32>
    %swap3A_108 = arith.constant 3 : index
    %swap3A_109 = arith.constant 0 : index
    %swap3A_110 = arith.constant 0 : index
    %swap3A_111 = vector.load %arg6[%swap3A_108, %swap3A_109, %swap3A_110] : memref<8x2000x128xf32, #tpu.memory_space<vmem>>, vector<1x2000x128xf32>
    %swap3A_112 = vector.shape_cast %swap3A_111 : vector<1x2000x128xf32> to vector<2000x128xf32>
    %swap3A_113 = vector.shape_cast %dot_general3A_107 : vector<2000x128xf32> to vector<1x2000x128xf32>
    tpu.vector_store %arg6[%swap3A_108, %swap3A_109, %swap3A_110], %swap3A_113 {strides = array<i32>} : memref<8x2000x128xf32, #tpu.memory_space<vmem>>, vector<1x2000x128xf32>,
    %get3A_114 = arith.constant 4 : index
    %get3A_115 = arith.constant 0 : index
    %get3A_116 = memref.load %arg2[%get3A_114, %get3A_115] : memref<8x2xf32, #tpu.memory_space<smem>>
    %get3A_117 = arith.constant 0 : index
    %get3A_118 = arith.constant 0 : index
    %get3A_119 = arith.constant 0 : index
    %get3A_120 = vector.load %arg3[%get3A_117, %get3A_118, %get3A_119] : memref<2x128x128xf32, #tpu.memory_space<vmem>>, vector<1x128x128xf32>
    %get3A_121 = vector.shape_cast %get3A_120 : vector<1x128x128xf32> to vector<128x128xf32>
    %mul3A_122 = vector.broadcast %get3A_116 : f32 to vector<128x128xf32>
    %mul3A_123 = arith.mulf %mul3A_122, %get3A_121 : vector<128x128xf32>
    %get3A_124 = arith.constant 4 : index
    %get3A_125 = arith.constant 1 : index
    %get3A_126 = memref.load %arg2[%get3A_124, %get3A_125] : memref<8x2xf32, #tpu.memory_space<smem>>
    %get3A_127 = arith.constant 1 : index
    %get3A_128 = arith.constant 0 : index
    %get3A_129 = arith.constant 0 : index
    %get3A_130 = vector.load %arg3[%get3A_127, %get3A_128, %get3A_129] : memref<2x128x128xf32, #tpu.memory_space<vmem>>, vector<1x128x128xf32>
    %get3A_131 = vector.shape_cast %get3A_130 : vector<1x128x128xf32> to vector<128x128xf32>
    %mul3A_132 = vector.broadcast %get3A_126 : f32 to vector<128x128xf32>
    %mul3A_133 = arith.mulf %mul3A_132, %get3A_131 : vector<128x128xf32>
    %add3A_134 = arith.addf %mul3A_123, %mul3A_133 : vector<128x128xf32>
    %dot_general3A_135 = arith.constant dense<0.000000e+00> : vector<2000x128xf32>
    %dot_general3A_136 = tpu.matmul %get3A_1, %add3A_134, %dot_general3A_135 {dimension_numbers = #tpu.dot_dimension_numbers<[1], [0], [0], [1], [0, 0, 1, 1], [], []>, transpose_lhs_hint = false} : vector<2000x128xf32>, vector<128x128xf32>, vector<2000x128xf32> -> vector<2000x128xf32>
    %swap3A_137 = arith.constant 4 : index
    %swap3A_138 = arith.constant 0 : index
    %swap3A_139 = arith.constant 0 : index
    %swap3A_140 = vector.load %arg6[%swap3A_137, %swap3A_138, %swap3A_139] : memref<8x2000x128xf32, #tpu.memory_space<vmem>>, vector<1x2000x128xf32>
    %swap3A_141 = vector.shape_cast %swap3A_140 : vector<1x2000x128xf32> to vector<2000x128xf32>
    %swap3A_142 = vector.shape_cast %dot_general3A_136 : vector<2000x128xf32> to vector<1x2000x128xf32>
    tpu.vector_store %arg6[%swap3A_137, %swap3A_138, %swap3A_139], %swap3A_142 {strides = array<i32>} : memref<8x2000x128xf32, #tpu.memory_space<vmem>>, vector<1x2000x128xf32>,
    %get3A_143 = arith.constant 5 : index
    %get3A_144 = arith.constant 0 : index
    %get3A_145 = memref.load %arg2[%get3A_143, %get3A_144] : memref<8x2xf32, #tpu.memory_space<smem>>
    %get3A_146 = arith.constant 0 : index
    %get3A_147 = arith.constant 0 : index
    %get3A_148 = arith.constant 0 : index
    %get3A_149 = vector.load %arg3[%get3A_146, %get3A_147, %get3A_148] : memref<2x128x128xf32, #tpu.memory_space<vmem>>, vector<1x128x128xf32>
    %get3A_150 = vector.shape_cast %get3A_149 : vector<1x128x128xf32> to vector<128x128xf32>
    %mul3A_151 = vector.broadcast %get3A_145 : f32 to vector<128x128xf32>
    %mul3A_152 = arith.mulf %mul3A_151, %get3A_150 : vector<128x128xf32>
    %get3A_153 = arith.constant 5 : index
    %get3A_154 = arith.constant 1 : index
    %get3A_155 = memref.load %arg2[%get3A_153, %get3A_154] : memref<8x2xf32, #tpu.memory_space<smem>>
    %get3A_156 = arith.constant 1 : index
    %get3A_157 = arith.constant 0 : index
    %get3A_158 = arith.constant 0 : index
    %get3A_159 = vector.load %arg3[%get3A_156, %get3A_157, %get3A_158] : memref<2x128x128xf32, #tpu.memory_space<vmem>>, vector<1x128x128xf32>
    %get3A_160 = vector.shape_cast %get3A_159 : vector<1x128x128xf32> to vector<128x128xf32>
    %mul3A_161 = vector.broadcast %get3A_155 : f32 to vector<128x128xf32>
    %mul3A_162 = arith.mulf %mul3A_161, %get3A_160 : vector<128x128xf32>
    %add3A_163 = arith.addf %mul3A_152, %mul3A_162 : vector<128x128xf32>
    %dot_general3A_164 = arith.constant dense<0.000000e+00> : vector<2000x128xf32>
    %dot_general3A_165 = tpu.matmul %get3A_1, %add3A_163, %dot_general3A_164 {dimension_numbers = #tpu.dot_dimension_numbers<[1], [0], [0], [1], [0, 0, 1, 1], [], []>, transpose_lhs_hint = false} : vector<2000x128xf32>, vector<128x128xf32>, vector<2000x128xf32> -> vector<2000x128xf32>
    %swap3A_166 = arith.constant 5 : index
    %swap3A_167 = arith.constant 0 : index
    %swap3A_168 = arith.constant 0 : index
    %swap3A_169 = vector.load %arg6[%swap3A_166, %swap3A_167, %swap3A_168] : memref<8x2000x128xf32, #tpu.memory_space<vmem>>, vector<1x2000x128xf32>
    %swap3A_170 = vector.shape_cast %swap3A_169 : vector<1x2000x128xf32> to vector<2000x128xf32>
    %swap3A_171 = vector.shape_cast %dot_general3A_165 : vector<2000x128xf32> to vector<1x2000x128xf32>
    tpu.vector_store %arg6[%swap3A_166, %swap3A_167, %swap3A_168], %swap3A_171 {strides = array<i32>} : memref<8x2000x128xf32, #tpu.memory_space<vmem>>, vector<1x2000x128xf32>,
    %get3A_172 = arith.constant 6 : index
    %get3A_173 = arith.constant 0 : index
    %get3A_174 = memref.load %arg2[%get3A_172, %get3A_173] : memref<8x2xf32, #tpu.memory_space<smem>>
    %get3A_175 = arith.constant 0 : index
    %get3A_176 = arith.constant 0 : index
    %get3A_177 = arith.constant 0 : index
    %get3A_178 = vector.load %arg3[%get3A_175, %get3A_176, %get3A_177] : memref<2x128x128xf32, #tpu.memory_space<vmem>>, vector<1x128x128xf32>
    %get3A_179 = vector.shape_cast %get3A_178 : vector<1x128x128xf32> to vector<128x128xf32>
    %mul3A_180 = vector.broadcast %get3A_174 : f32 to vector<128x128xf32>
    %mul3A_181 = arith.mulf %mul3A_180, %get3A_179 : vector<128x128xf32>
    %get3A_182 = arith.constant 6 : index
    %get3A_183 = arith.constant 1 : index
    %get3A_184 = memref.load %arg2[%get3A_182, %get3A_183] : memref<8x2xf32, #tpu.memory_space<smem>>
    %get3A_185 = arith.constant 1 : index
    %get3A_186 = arith.constant 0 : index
    %get3A_187 = arith.constant 0 : index
    %get3A_188 = vector.load %arg3[%get3A_185, %get3A_186, %get3A_187] : memref<2x128x128xf32, #tpu.memory_space<vmem>>, vector<1x128x128xf32>
    %get3A_189 = vector.shape_cast %get3A_188 : vector<1x128x128xf32> to vector<128x128xf32>
    %mul3A_190 = vector.broadcast %get3A_184 : f32 to vector<128x128xf32>
    %mul3A_191 = arith.mulf %mul3A_190, %get3A_189 : vector<128x128xf32>
    %add3A_192 = arith.addf %mul3A_181, %mul3A_191 : vector<128x128xf32>
    %dot_general3A_193 = arith.constant dense<0.000000e+00> : vector<2000x128xf32>
    %dot_general3A_194 = tpu.matmul %get3A_1, %add3A_192, %dot_general3A_193 {dimension_numbers = #tpu.dot_dimension_numbers<[1], [0], [0], [1], [0, 0, 1, 1], [], []>, transpose_lhs_hint = false} : vector<2000x128xf32>, vector<128x128xf32>, vector<2000x128xf32> -> vector<2000x128xf32>
    %swap3A_195 = arith.constant 6 : index
    %swap3A_196 = arith.constant 0 : index
    %swap3A_197 = arith.constant 0 : index
    %swap3A_198 = vector.load %arg6[%swap3A_195, %swap3A_196, %swap3A_197] : memref<8x2000x128xf32, #tpu.memory_space<vmem>>, vector<1x2000x128xf32>
    %swap3A_199 = vector.shape_cast %swap3A_198 : vector<1x2000x128xf32> to vector<2000x128xf32>
    %swap3A_200 = vector.shape_cast %dot_general3A_194 : vector<2000x128xf32> to vector<1x2000x128xf32>
    tpu.vector_store %arg6[%swap3A_195, %swap3A_196, %swap3A_197], %swap3A_200 {strides = array<i32>} : memref<8x2000x128xf32, #tpu.memory_space<vmem>>, vector<1x2000x128xf32>,
    %get3A_201 = arith.constant 7 : index
    %get3A_202 = arith.constant 0 : index
    %get3A_203 = memref.load %arg2[%get3A_201, %get3A_202] : memref<8x2xf32, #tpu.memory_space<smem>>
    %get3A_204 = arith.constant 0 : index
    %get3A_205 = arith.constant 0 : index
    %get3A_206 = arith.constant 0 : index
    %get3A_207 = vector.load %arg3[%get3A_204, %get3A_205, %get3A_206] : memref<2x128x128xf32, #tpu.memory_space<vmem>>, vector<1x128x128xf32>
    %get3A_208 = vector.shape_cast %get3A_207 : vector<1x128x128xf32> to vector<128x128xf32>
    %mul3A_209 = vector.broadcast %get3A_203 : f32 to vector<128x128xf32>
    %mul3A_210 = arith.mulf %mul3A_209, %get3A_208 : vector<128x128xf32>
    %get3A_211 = arith.constant 7 : index
    %get3A_212 = arith.constant 1 : index
    %get3A_213 = memref.load %arg2[%get3A_211, %get3A_212] : memref<8x2xf32, #tpu.memory_space<smem>>
    %get3A_214 = arith.constant 1 : index
    %get3A_215 = arith.constant 0 : index
    %get3A_216 = arith.constant 0 : index
    %get3A_217 = vector.load %arg3[%get3A_214, %get3A_215, %get3A_216] : memref<2x128x128xf32, #tpu.memory_space<vmem>>, vector<1x128x128xf32>
    %get3A_218 = vector.shape_cast %get3A_217 : vector<1x128x128xf32> to vector<128x128xf32>
    %mul3A_219 = vector.broadcast %get3A_213 : f32 to vector<128x128xf32>
    %mul3A_220 = arith.mulf %mul3A_219, %get3A_218 : vector<128x128xf32>
    %add3A_221 = arith.addf %mul3A_210, %mul3A_220 : vector<128x128xf32>
    %dot_general3A_222 = arith.constant dense<0.000000e+00> : vector<2000x128xf32>
    %dot_general3A_223 = tpu.matmul %get3A_1, %add3A_221, %dot_general3A_222 {dimension_numbers = #tpu.dot_dimension_numbers<[1], [0], [0], [1], [0, 0, 1, 1], [], []>, transpose_lhs_hint = false} : vector<2000x128xf32>, vector<128x128xf32>, vector<2000x128xf32> -> vector<2000x128xf32>
    %swap3A_224 = arith.constant 7 : index
    %swap3A_225 = arith.constant 0 : index
    %swap3A_226 = arith.constant 0 : index
    %swap3A_227 = vector.load %arg6[%swap3A_224, %swap3A_225, %swap3A_226] : memref<8x2000x128xf32, #tpu.memory_space<vmem>>, vector<1x2000x128xf32>
    %swap3A_228 = vector.shape_cast %swap3A_227 : vector<1x2000x128xf32> to vector<2000x128xf32>
    %swap3A_229 = vector.shape_cast %dot_general3A_223 : vector<2000x128xf32> to vector<1x2000x128xf32>
    tpu.vector_store %arg6[%swap3A_224, %swap3A_225, %swap3A_226], %swap3A_229 {strides = array<i32>} : memref<8x2000x128xf32, #tpu.memory_space<vmem>>, vector<1x2000x128xf32>,
    %get3A_230 = arith.constant 0 : index
    %get3A_231 = arith.constant 0 : index
    %get3A_232 = vector.load %arg4[%get3A_230, %get3A_231] : memref<128x128xf32, #tpu.memory_space<vmem>>, vector<128x128xf32>
    %dot_general3A_233 = arith.constant dense<0.000000e+00> : vector<2000x128xf32>
    %dot_general3A_234 = tpu.matmul %get3A_1, %get3A_232, %dot_general3A_233 {dimension_numbers = #tpu.dot_dimension_numbers<[1], [0], [0], [1], [0, 0, 1, 1], [], []>, transpose_lhs_hint = false} : vector<2000x128xf32>, vector<128x128xf32>, vector<2000x128xf32> -> vector<2000x128xf32>
    %get3A_235 = arith.constant 0 : index
    %get3A_236 = arith.constant 0 : index
    %get3A_237 = vector.load %arg5[%get3A_235, %get3A_236] : memref<1x128xf32, #tpu.memory_space<vmem>>, vector<1x128xf32>
    %add3A_238 = vector.broadcast %get3A_237 : vector<1x128xf32> to vector<2000x128xf32>
    %add3A_239 = arith.addf %dot_general3A_234, %add3A_238 : vector<2000x128xf32>
    %swap3A_240 = arith.constant 0 : index
    %swap3A_241 = arith.constant 0 : index
    %swap3A_242 = vector.load %arg7[%swap3A_240, %swap3A_241] : memref<2000x128xf32, #tpu.memory_space<vmem>>, vector<2000x128xf32>
    tpu.vector_store %arg7[%swap3A_240, %swap3A_241], %add3A_239 {strides = array<i32>} : memref<2000x128xf32, #tpu.memory_space<vmem>>, vector<2000x128xf32>,
    return
  }
  func.func @transform_0(%arg0: i32) -> (i32, i32) {
    %c0_i32 = arith.constant 0 : i32
    %c0_i32_0 = arith.constant 0 : i32
    return %arg0, %c0_i32 : i32, i32
  }
  func.func @transform_1(%arg0: i32) -> (i32, i32) {
    %c0_i32 = arith.constant 0 : i32
    %c0_i32_0 = arith.constant 0 : i32
    %c0_i32_1 = arith.constant 0 : i32
    return %c0_i32, %c0_i32_0 : i32, i32
  }
  func.func @transform_2(%arg0: i32) -> (i32, i32, i32) {
    %c0_i32 = arith.constant 0 : i32
    %c0_i32_0 = arith.constant 0 : i32
    %c0_i32_1 = arith.constant 0 : i32
    %c0_i32_2 = arith.constant 0 : i32
    return %c0_i32, %c0_i32_0, %c0_i32_1 : i32, i32, i32
  }
  func.func @transform_3(%arg0: i32) -> (i32, i32) {
    %c0_i32 = arith.constant 0 : i32
    %c0_i32_0 = arith.constant 0 : i32
    %c0_i32_1 = arith.constant 0 : i32
    return %c0_i32, %c0_i32_0 : i32, i32
  }
  func.func @transform_4(%arg0: i32) -> (i32, i32) {
    %c0_i32 = arith.constant 0 : i32
    %c0_i32_0 = arith.constant 0 : i32
    %c0_i32_1 = arith.constant 0 : i32
    return %c0_i32, %c0_i32_0 : i32, i32
  }
  func.func @transform_5(%arg0: i32) -> (i32, i32, i32) {
    %c0_i32 = arith.constant 0 : i32
    %c0_i32_0 = arith.constant 0 : i32
    %c0_i32_1 = arith.constant 0 : i32
    return %c0_i32, %arg0, %c0_i32_0 : i32, i32, i32
  }
  func.func @transform_6(%arg0: i32) -> (i32, i32) {
    %c0_i32 = arith.constant 0 : i32
    %c0_i32_0 = arith.constant 0 : i32
    return %arg0, %c0_i32 : i32, i32
  }
}

module attributes {stable_mosaic.version = 14 : i64} {
  func.func @body(%arg0: i32, %arg1: memref<2x2000x128xf32, #tpu.memory_space<vmem>>, %arg2: memref<2000x128xf32, #tpu.memory_space<vmem>>, %arg3: memref<8x2xf32, #tpu.memory_space<smem>>, %arg4: memref<2x128x128xf32, #tpu.memory_space<vmem>>, %arg5: memref<128x128xf32, #tpu.memory_space<vmem>>, %arg6: memref<1x128xf32, #tpu.memory_space<vmem>>, %arg7: memref<2000x128xf32, #tpu.memory_space<vmem>>, %arg8: memref<8x2000x128xf32, #tpu.memory_space<vmem>>, %arg9: memref<1x1xf32, #tpu.memory_space<vmem>>) attributes {dimension_semantics = [#tpu.dimension_semantics<arbitrary>], iteration_bounds = array<i64: 5>, scalar_prefetch = 0 : i64, scratch_operands = 0 : i64, tpu.core_type = #tpu.core_type<tc>, window_params = [{transform_indices = @transform_0, window_bounds = array<i64: 2, 2000, 128>}, {transform_indices = @transform_1, window_bounds = array<i64: 2000, 128>}, {transform_indices = @transform_2, window_bounds = array<i64: 8, 2>}, {pipeline_mode = #tpu.pipeline_mode<synchronous>, transform_indices = @transform_3, window_bounds = array<i64: 2, 128, 128>}, {pipeline_mode = #tpu.pipeline_mode<synchronous>, transform_indices = @transform_4, window_bounds = array<i64: 128, 128>}, {pipeline_mode = #tpu.pipeline_mode<synchronous>, transform_indices = @transform_5, window_bounds = array<i64: 1, 128>}, {transform_indices = @transform_6, window_bounds = array<i64: 2000, 128>}, {transform_indices = @transform_7, window_bounds = array<i64: 8, 2000, 128>}, {pipeline_mode = #tpu.pipeline_mode<synchronous>, transform_indices = @transform_8, window_bounds = array<i64: 1, 1>}]} {
    %get3A = arith.constant 0 : index
    %get3A_0 = arith.constant 0 : index
    %get3A_1 = arith.constant 0 : index
    %get3A_2 = vector.load %arg1[%get3A, %get3A_0, %get3A_1] : memref<2x2000x128xf32, #tpu.memory_space<vmem>>, vector<1x2000x128xf32>
    %get3A_3 = vector.shape_cast %get3A_2 : vector<1x2000x128xf32> to vector<2000x128xf32>
    %get3A_4 = arith.constant 1 : index
    %get3A_5 = arith.constant 0 : index
    %get3A_6 = arith.constant 0 : index
    %get3A_7 = vector.load %arg1[%get3A_4, %get3A_5, %get3A_6] : memref<2x2000x128xf32, #tpu.memory_space<vmem>>, vector<1x2000x128xf32>
    %get3A_8 = vector.shape_cast %get3A_7 : vector<1x2000x128xf32> to vector<2000x128xf32>
    %add3A = arith.addf %get3A_3, %get3A_8 : vector<2000x128xf32>
    %get3A_9 = arith.constant 0 : index
    %get3A_10 = arith.constant 0 : index
    %get3A_11 = vector.load %arg2[%get3A_9, %get3A_10] : memref<2000x128xf32, #tpu.memory_space<vmem>>, vector<2000x128xf32>
    %add3A_12 = arith.addf %add3A, %get3A_11 : vector<2000x128xf32>
    %max3A = arith.constant 0.000000e+00 : f32
    %max3A_13 = vector.broadcast %max3A : f32 to vector<2000x128xf32>
    %max3A_14 = arith.maximumf %add3A_12, %max3A_13 : vector<2000x128xf32>
    %get3A_15 = arith.constant 0 : index
    %get3A_16 = arith.constant 0 : index
    %get3A_17 = memref.load %arg3[%get3A_15, %get3A_16] : memref<8x2xf32, #tpu.memory_space<smem>>
    %get3A_18 = arith.constant 0 : index
    %get3A_19 = arith.constant 0 : index
    %get3A_20 = arith.constant 0 : index
    %get3A_21 = vector.load %arg4[%get3A_18, %get3A_19, %get3A_20] : memref<2x128x128xf32, #tpu.memory_space<vmem>>, vector<1x128x128xf32>
    %get3A_22 = vector.shape_cast %get3A_21 : vector<1x128x128xf32> to vector<128x128xf32>
    %mul3A = vector.broadcast %get3A_17 : f32 to vector<128x128xf32>
    %mul3A_23 = arith.mulf %mul3A, %get3A_22 : vector<128x128xf32>
    %get3A_24 = arith.constant 0 : index
    %get3A_25 = arith.constant 1 : index
    %get3A_26 = memref.load %arg3[%get3A_24, %get3A_25] : memref<8x2xf32, #tpu.memory_space<smem>>
    %get3A_27 = arith.constant 1 : index
    %get3A_28 = arith.constant 0 : index
    %get3A_29 = arith.constant 0 : index
    %get3A_30 = vector.load %arg4[%get3A_27, %get3A_28, %get3A_29] : memref<2x128x128xf32, #tpu.memory_space<vmem>>, vector<1x128x128xf32>
    %get3A_31 = vector.shape_cast %get3A_30 : vector<1x128x128xf32> to vector<128x128xf32>
    %mul3A_32 = vector.broadcast %get3A_26 : f32 to vector<128x128xf32>
    %mul3A_33 = arith.mulf %mul3A_32, %get3A_31 : vector<128x128xf32>
    %add3A_34 = arith.addf %mul3A_23, %mul3A_33 : vector<128x128xf32>
    %dot_general3A = arith.constant dense<0.000000e+00> : vector<2000x128xf32>
    %dot_general3A_35 = tpu.matmul %max3A_14, %add3A_34, %dot_general3A {dimension_numbers = #tpu.dot_dimension_numbers<[1], [0], [0], [1], [0, 0, 1, 1], [], []>, transpose_lhs_hint = false} : vector<2000x128xf32>, vector<128x128xf32>, vector<2000x128xf32> -> vector<2000x128xf32>
    %swap3A = arith.constant 0 : index
    %swap3A_36 = arith.constant 0 : index
    %swap3A_37 = arith.constant 0 : index
    %swap3A_38 = vector.load %arg8[%swap3A, %swap3A_36, %swap3A_37] : memref<8x2000x128xf32, #tpu.memory_space<vmem>>, vector<1x2000x128xf32>
    %swap3A_39 = vector.shape_cast %swap3A_38 : vector<1x2000x128xf32> to vector<2000x128xf32>
    %swap3A_40 = vector.shape_cast %dot_general3A_35 : vector<2000x128xf32> to vector<1x2000x128xf32>
    tpu.vector_store %arg8[%swap3A, %swap3A_36, %swap3A_37], %swap3A_40 {strides = array<i32>} : memref<8x2000x128xf32, #tpu.memory_space<vmem>>, vector<1x2000x128xf32>,
    %get3A_41 = arith.constant 1 : index
    %get3A_42 = arith.constant 0 : index
    %get3A_43 = memref.load %arg3[%get3A_41, %get3A_42] : memref<8x2xf32, #tpu.memory_space<smem>>
    %get3A_44 = arith.constant 0 : index
    %get3A_45 = arith.constant 0 : index
    %get3A_46 = arith.constant 0 : index
    %get3A_47 = vector.load %arg4[%get3A_44, %get3A_45, %get3A_46] : memref<2x128x128xf32, #tpu.memory_space<vmem>>, vector<1x128x128xf32>
    %get3A_48 = vector.shape_cast %get3A_47 : vector<1x128x128xf32> to vector<128x128xf32>
    %mul3A_49 = vector.broadcast %get3A_43 : f32 to vector<128x128xf32>
    %mul3A_50 = arith.mulf %mul3A_49, %get3A_48 : vector<128x128xf32>
    %get3A_51 = arith.constant 1 : index
    %get3A_52 = arith.constant 1 : index
    %get3A_53 = memref.load %arg3[%get3A_51, %get3A_52] : memref<8x2xf32, #tpu.memory_space<smem>>
    %get3A_54 = arith.constant 1 : index
    %get3A_55 = arith.constant 0 : index
    %get3A_56 = arith.constant 0 : index
    %get3A_57 = vector.load %arg4[%get3A_54, %get3A_55, %get3A_56] : memref<2x128x128xf32, #tpu.memory_space<vmem>>, vector<1x128x128xf32>
    %get3A_58 = vector.shape_cast %get3A_57 : vector<1x128x128xf32> to vector<128x128xf32>
    %mul3A_59 = vector.broadcast %get3A_53 : f32 to vector<128x128xf32>
    %mul3A_60 = arith.mulf %mul3A_59, %get3A_58 : vector<128x128xf32>
    %add3A_61 = arith.addf %mul3A_50, %mul3A_60 : vector<128x128xf32>
    %dot_general3A_62 = arith.constant dense<0.000000e+00> : vector<2000x128xf32>
    %dot_general3A_63 = tpu.matmul %max3A_14, %add3A_61, %dot_general3A_62 {dimension_numbers = #tpu.dot_dimension_numbers<[1], [0], [0], [1], [0, 0, 1, 1], [], []>, transpose_lhs_hint = false} : vector<2000x128xf32>, vector<128x128xf32>, vector<2000x128xf32> -> vector<2000x128xf32>
    %swap3A_64 = arith.constant 1 : index
    %swap3A_65 = arith.constant 0 : index
    %swap3A_66 = arith.constant 0 : index
    %swap3A_67 = vector.load %arg8[%swap3A_64, %swap3A_65, %swap3A_66] : memref<8x2000x128xf32, #tpu.memory_space<vmem>>, vector<1x2000x128xf32>
    %swap3A_68 = vector.shape_cast %swap3A_67 : vector<1x2000x128xf32> to vector<2000x128xf32>
    %swap3A_69 = vector.shape_cast %dot_general3A_63 : vector<2000x128xf32> to vector<1x2000x128xf32>
    tpu.vector_store %arg8[%swap3A_64, %swap3A_65, %swap3A_66], %swap3A_69 {strides = array<i32>} : memref<8x2000x128xf32, #tpu.memory_space<vmem>>, vector<1x2000x128xf32>,
    %get3A_70 = arith.constant 2 : index
    %get3A_71 = arith.constant 0 : index
    %get3A_72 = memref.load %arg3[%get3A_70, %get3A_71] : memref<8x2xf32, #tpu.memory_space<smem>>
    %get3A_73 = arith.constant 0 : index
    %get3A_74 = arith.constant 0 : index
    %get3A_75 = arith.constant 0 : index
    %get3A_76 = vector.load %arg4[%get3A_73, %get3A_74, %get3A_75] : memref<2x128x128xf32, #tpu.memory_space<vmem>>, vector<1x128x128xf32>
    %get3A_77 = vector.shape_cast %get3A_76 : vector<1x128x128xf32> to vector<128x128xf32>
    %mul3A_78 = vector.broadcast %get3A_72 : f32 to vector<128x128xf32>
    %mul3A_79 = arith.mulf %mul3A_78, %get3A_77 : vector<128x128xf32>
    %get3A_80 = arith.constant 2 : index
    %get3A_81 = arith.constant 1 : index
    %get3A_82 = memref.load %arg3[%get3A_80, %get3A_81] : memref<8x2xf32, #tpu.memory_space<smem>>
    %get3A_83 = arith.constant 1 : index
    %get3A_84 = arith.constant 0 : index
    %get3A_85 = arith.constant 0 : index
    %get3A_86 = vector.load %arg4[%get3A_83, %get3A_84, %get3A_85] : memref<2x128x128xf32, #tpu.memory_space<vmem>>, vector<1x128x128xf32>
    %get3A_87 = vector.shape_cast %get3A_86 : vector<1x128x128xf32> to vector<128x128xf32>
    %mul3A_88 = vector.broadcast %get3A_82 : f32 to vector<128x128xf32>
    %mul3A_89 = arith.mulf %mul3A_88, %get3A_87 : vector<128x128xf32>
    %add3A_90 = arith.addf %mul3A_79, %mul3A_89 : vector<128x128xf32>
    %dot_general3A_91 = arith.constant dense<0.000000e+00> : vector<2000x128xf32>
    %dot_general3A_92 = tpu.matmul %max3A_14, %add3A_90, %dot_general3A_91 {dimension_numbers = #tpu.dot_dimension_numbers<[1], [0], [0], [1], [0, 0, 1, 1], [], []>, transpose_lhs_hint = false} : vector<2000x128xf32>, vector<128x128xf32>, vector<2000x128xf32> -> vector<2000x128xf32>
    %swap3A_93 = arith.constant 2 : index
    %swap3A_94 = arith.constant 0 : index
    %swap3A_95 = arith.constant 0 : index
    %swap3A_96 = vector.load %arg8[%swap3A_93, %swap3A_94, %swap3A_95] : memref<8x2000x128xf32, #tpu.memory_space<vmem>>, vector<1x2000x128xf32>
    %swap3A_97 = vector.shape_cast %swap3A_96 : vector<1x2000x128xf32> to vector<2000x128xf32>
    %swap3A_98 = vector.shape_cast %dot_general3A_92 : vector<2000x128xf32> to vector<1x2000x128xf32>
    tpu.vector_store %arg8[%swap3A_93, %swap3A_94, %swap3A_95], %swap3A_98 {strides = array<i32>} : memref<8x2000x128xf32, #tpu.memory_space<vmem>>, vector<1x2000x128xf32>,
    %get3A_99 = arith.constant 3 : index
    %get3A_100 = arith.constant 0 : index
    %get3A_101 = memref.load %arg3[%get3A_99, %get3A_100] : memref<8x2xf32, #tpu.memory_space<smem>>
    %get3A_102 = arith.constant 0 : index
    %get3A_103 = arith.constant 0 : index
    %get3A_104 = arith.constant 0 : index
    %get3A_105 = vector.load %arg4[%get3A_102, %get3A_103, %get3A_104] : memref<2x128x128xf32, #tpu.memory_space<vmem>>, vector<1x128x128xf32>
    %get3A_106 = vector.shape_cast %get3A_105 : vector<1x128x128xf32> to vector<128x128xf32>
    %mul3A_107 = vector.broadcast %get3A_101 : f32 to vector<128x128xf32>
    %mul3A_108 = arith.mulf %mul3A_107, %get3A_106 : vector<128x128xf32>
    %get3A_109 = arith.constant 3 : index
    %get3A_110 = arith.constant 1 : index
    %get3A_111 = memref.load %arg3[%get3A_109, %get3A_110] : memref<8x2xf32, #tpu.memory_space<smem>>
    %get3A_112 = arith.constant 1 : index
    %get3A_113 = arith.constant 0 : index
    %get3A_114 = arith.constant 0 : index
    %get3A_115 = vector.load %arg4[%get3A_112, %get3A_113, %get3A_114] : memref<2x128x128xf32, #tpu.memory_space<vmem>>, vector<1x128x128xf32>
    %get3A_116 = vector.shape_cast %get3A_115 : vector<1x128x128xf32> to vector<128x128xf32>
    %mul3A_117 = vector.broadcast %get3A_111 : f32 to vector<128x128xf32>
    %mul3A_118 = arith.mulf %mul3A_117, %get3A_116 : vector<128x128xf32>
    %add3A_119 = arith.addf %mul3A_108, %mul3A_118 : vector<128x128xf32>
    %dot_general3A_120 = arith.constant dense<0.000000e+00> : vector<2000x128xf32>
    %dot_general3A_121 = tpu.matmul %max3A_14, %add3A_119, %dot_general3A_120 {dimension_numbers = #tpu.dot_dimension_numbers<[1], [0], [0], [1], [0, 0, 1, 1], [], []>, transpose_lhs_hint = false} : vector<2000x128xf32>, vector<128x128xf32>, vector<2000x128xf32> -> vector<2000x128xf32>
    %swap3A_122 = arith.constant 3 : index
    %swap3A_123 = arith.constant 0 : index
    %swap3A_124 = arith.constant 0 : index
    %swap3A_125 = vector.load %arg8[%swap3A_122, %swap3A_123, %swap3A_124] : memref<8x2000x128xf32, #tpu.memory_space<vmem>>, vector<1x2000x128xf32>
    %swap3A_126 = vector.shape_cast %swap3A_125 : vector<1x2000x128xf32> to vector<2000x128xf32>
    %swap3A_127 = vector.shape_cast %dot_general3A_121 : vector<2000x128xf32> to vector<1x2000x128xf32>
    tpu.vector_store %arg8[%swap3A_122, %swap3A_123, %swap3A_124], %swap3A_127 {strides = array<i32>} : memref<8x2000x128xf32, #tpu.memory_space<vmem>>, vector<1x2000x128xf32>,
    %get3A_128 = arith.constant 4 : index
    %get3A_129 = arith.constant 0 : index
    %get3A_130 = memref.load %arg3[%get3A_128, %get3A_129] : memref<8x2xf32, #tpu.memory_space<smem>>
    %get3A_131 = arith.constant 0 : index
    %get3A_132 = arith.constant 0 : index
    %get3A_133 = arith.constant 0 : index
    %get3A_134 = vector.load %arg4[%get3A_131, %get3A_132, %get3A_133] : memref<2x128x128xf32, #tpu.memory_space<vmem>>, vector<1x128x128xf32>
    %get3A_135 = vector.shape_cast %get3A_134 : vector<1x128x128xf32> to vector<128x128xf32>
    %mul3A_136 = vector.broadcast %get3A_130 : f32 to vector<128x128xf32>
    %mul3A_137 = arith.mulf %mul3A_136, %get3A_135 : vector<128x128xf32>
    %get3A_138 = arith.constant 4 : index
    %get3A_139 = arith.constant 1 : index
    %get3A_140 = memref.load %arg3[%get3A_138, %get3A_139] : memref<8x2xf32, #tpu.memory_space<smem>>
    %get3A_141 = arith.constant 1 : index
    %get3A_142 = arith.constant 0 : index
    %get3A_143 = arith.constant 0 : index
    %get3A_144 = vector.load %arg4[%get3A_141, %get3A_142, %get3A_143] : memref<2x128x128xf32, #tpu.memory_space<vmem>>, vector<1x128x128xf32>
    %get3A_145 = vector.shape_cast %get3A_144 : vector<1x128x128xf32> to vector<128x128xf32>
    %mul3A_146 = vector.broadcast %get3A_140 : f32 to vector<128x128xf32>
    %mul3A_147 = arith.mulf %mul3A_146, %get3A_145 : vector<128x128xf32>
    %add3A_148 = arith.addf %mul3A_137, %mul3A_147 : vector<128x128xf32>
    %dot_general3A_149 = arith.constant dense<0.000000e+00> : vector<2000x128xf32>
    %dot_general3A_150 = tpu.matmul %max3A_14, %add3A_148, %dot_general3A_149 {dimension_numbers = #tpu.dot_dimension_numbers<[1], [0], [0], [1], [0, 0, 1, 1], [], []>, transpose_lhs_hint = false} : vector<2000x128xf32>, vector<128x128xf32>, vector<2000x128xf32> -> vector<2000x128xf32>
    %swap3A_151 = arith.constant 4 : index
    %swap3A_152 = arith.constant 0 : index
    %swap3A_153 = arith.constant 0 : index
    %swap3A_154 = vector.load %arg8[%swap3A_151, %swap3A_152, %swap3A_153] : memref<8x2000x128xf32, #tpu.memory_space<vmem>>, vector<1x2000x128xf32>
    %swap3A_155 = vector.shape_cast %swap3A_154 : vector<1x2000x128xf32> to vector<2000x128xf32>
    %swap3A_156 = vector.shape_cast %dot_general3A_150 : vector<2000x128xf32> to vector<1x2000x128xf32>
    tpu.vector_store %arg8[%swap3A_151, %swap3A_152, %swap3A_153], %swap3A_156 {strides = array<i32>} : memref<8x2000x128xf32, #tpu.memory_space<vmem>>, vector<1x2000x128xf32>,
    %get3A_157 = arith.constant 5 : index
    %get3A_158 = arith.constant 0 : index
    %get3A_159 = memref.load %arg3[%get3A_157, %get3A_158] : memref<8x2xf32, #tpu.memory_space<smem>>
    %get3A_160 = arith.constant 0 : index
    %get3A_161 = arith.constant 0 : index
    %get3A_162 = arith.constant 0 : index
    %get3A_163 = vector.load %arg4[%get3A_160, %get3A_161, %get3A_162] : memref<2x128x128xf32, #tpu.memory_space<vmem>>, vector<1x128x128xf32>
    %get3A_164 = vector.shape_cast %get3A_163 : vector<1x128x128xf32> to vector<128x128xf32>
    %mul3A_165 = vector.broadcast %get3A_159 : f32 to vector<128x128xf32>
    %mul3A_166 = arith.mulf %mul3A_165, %get3A_164 : vector<128x128xf32>
    %get3A_167 = arith.constant 5 : index
    %get3A_168 = arith.constant 1 : index
    %get3A_169 = memref.load %arg3[%get3A_167, %get3A_168] : memref<8x2xf32, #tpu.memory_space<smem>>
    %get3A_170 = arith.constant 1 : index
    %get3A_171 = arith.constant 0 : index
    %get3A_172 = arith.constant 0 : index
    %get3A_173 = vector.load %arg4[%get3A_170, %get3A_171, %get3A_172] : memref<2x128x128xf32, #tpu.memory_space<vmem>>, vector<1x128x128xf32>
    %get3A_174 = vector.shape_cast %get3A_173 : vector<1x128x128xf32> to vector<128x128xf32>
    %mul3A_175 = vector.broadcast %get3A_169 : f32 to vector<128x128xf32>
    %mul3A_176 = arith.mulf %mul3A_175, %get3A_174 : vector<128x128xf32>
    %add3A_177 = arith.addf %mul3A_166, %mul3A_176 : vector<128x128xf32>
    %dot_general3A_178 = arith.constant dense<0.000000e+00> : vector<2000x128xf32>
    %dot_general3A_179 = tpu.matmul %max3A_14, %add3A_177, %dot_general3A_178 {dimension_numbers = #tpu.dot_dimension_numbers<[1], [0], [0], [1], [0, 0, 1, 1], [], []>, transpose_lhs_hint = false} : vector<2000x128xf32>, vector<128x128xf32>, vector<2000x128xf32> -> vector<2000x128xf32>
    %swap3A_180 = arith.constant 5 : index
    %swap3A_181 = arith.constant 0 : index
    %swap3A_182 = arith.constant 0 : index
    %swap3A_183 = vector.load %arg8[%swap3A_180, %swap3A_181, %swap3A_182] : memref<8x2000x128xf32, #tpu.memory_space<vmem>>, vector<1x2000x128xf32>
    %swap3A_184 = vector.shape_cast %swap3A_183 : vector<1x2000x128xf32> to vector<2000x128xf32>
    %swap3A_185 = vector.shape_cast %dot_general3A_179 : vector<2000x128xf32> to vector<1x2000x128xf32>
    tpu.vector_store %arg8[%swap3A_180, %swap3A_181, %swap3A_182], %swap3A_185 {strides = array<i32>} : memref<8x2000x128xf32, #tpu.memory_space<vmem>>, vector<1x2000x128xf32>,
    %get3A_186 = arith.constant 6 : index
    %get3A_187 = arith.constant 0 : index
    %get3A_188 = memref.load %arg3[%get3A_186, %get3A_187] : memref<8x2xf32, #tpu.memory_space<smem>>
    %get3A_189 = arith.constant 0 : index
    %get3A_190 = arith.constant 0 : index
    %get3A_191 = arith.constant 0 : index
    %get3A_192 = vector.load %arg4[%get3A_189, %get3A_190, %get3A_191] : memref<2x128x128xf32, #tpu.memory_space<vmem>>, vector<1x128x128xf32>
    %get3A_193 = vector.shape_cast %get3A_192 : vector<1x128x128xf32> to vector<128x128xf32>
    %mul3A_194 = vector.broadcast %get3A_188 : f32 to vector<128x128xf32>
    %mul3A_195 = arith.mulf %mul3A_194, %get3A_193 : vector<128x128xf32>
    %get3A_196 = arith.constant 6 : index
    %get3A_197 = arith.constant 1 : index
    %get3A_198 = memref.load %arg3[%get3A_196, %get3A_197] : memref<8x2xf32, #tpu.memory_space<smem>>
    %get3A_199 = arith.constant 1 : index
    %get3A_200 = arith.constant 0 : index
    %get3A_201 = arith.constant 0 : index
    %get3A_202 = vector.load %arg4[%get3A_199, %get3A_200, %get3A_201] : memref<2x128x128xf32, #tpu.memory_space<vmem>>, vector<1x128x128xf32>
    %get3A_203 = vector.shape_cast %get3A_202 : vector<1x128x128xf32> to vector<128x128xf32>
    %mul3A_204 = vector.broadcast %get3A_198 : f32 to vector<128x128xf32>
    %mul3A_205 = arith.mulf %mul3A_204, %get3A_203 : vector<128x128xf32>
    %add3A_206 = arith.addf %mul3A_195, %mul3A_205 : vector<128x128xf32>
    %dot_general3A_207 = arith.constant dense<0.000000e+00> : vector<2000x128xf32>
    %dot_general3A_208 = tpu.matmul %max3A_14, %add3A_206, %dot_general3A_207 {dimension_numbers = #tpu.dot_dimension_numbers<[1], [0], [0], [1], [0, 0, 1, 1], [], []>, transpose_lhs_hint = false} : vector<2000x128xf32>, vector<128x128xf32>, vector<2000x128xf32> -> vector<2000x128xf32>
    %swap3A_209 = arith.constant 6 : index
    %swap3A_210 = arith.constant 0 : index
    %swap3A_211 = arith.constant 0 : index
    %swap3A_212 = vector.load %arg8[%swap3A_209, %swap3A_210, %swap3A_211] : memref<8x2000x128xf32, #tpu.memory_space<vmem>>, vector<1x2000x128xf32>
    %swap3A_213 = vector.shape_cast %swap3A_212 : vector<1x2000x128xf32> to vector<2000x128xf32>
    %swap3A_214 = vector.shape_cast %dot_general3A_208 : vector<2000x128xf32> to vector<1x2000x128xf32>
    tpu.vector_store %arg8[%swap3A_209, %swap3A_210, %swap3A_211], %swap3A_214 {strides = array<i32>} : memref<8x2000x128xf32, #tpu.memory_space<vmem>>, vector<1x2000x128xf32>,
    %get3A_215 = arith.constant 7 : index
    %get3A_216 = arith.constant 0 : index
    %get3A_217 = memref.load %arg3[%get3A_215, %get3A_216] : memref<8x2xf32, #tpu.memory_space<smem>>
    %get3A_218 = arith.constant 0 : index
    %get3A_219 = arith.constant 0 : index
    %get3A_220 = arith.constant 0 : index
    %get3A_221 = vector.load %arg4[%get3A_218, %get3A_219, %get3A_220] : memref<2x128x128xf32, #tpu.memory_space<vmem>>, vector<1x128x128xf32>
    %get3A_222 = vector.shape_cast %get3A_221 : vector<1x128x128xf32> to vector<128x128xf32>
    %mul3A_223 = vector.broadcast %get3A_217 : f32 to vector<128x128xf32>
    %mul3A_224 = arith.mulf %mul3A_223, %get3A_222 : vector<128x128xf32>
    %get3A_225 = arith.constant 7 : index
    %get3A_226 = arith.constant 1 : index
    %get3A_227 = memref.load %arg3[%get3A_225, %get3A_226] : memref<8x2xf32, #tpu.memory_space<smem>>
    %get3A_228 = arith.constant 1 : index
    %get3A_229 = arith.constant 0 : index
    %get3A_230 = arith.constant 0 : index
    %get3A_231 = vector.load %arg4[%get3A_228, %get3A_229, %get3A_230] : memref<2x128x128xf32, #tpu.memory_space<vmem>>, vector<1x128x128xf32>
    %get3A_232 = vector.shape_cast %get3A_231 : vector<1x128x128xf32> to vector<128x128xf32>
    %mul3A_233 = vector.broadcast %get3A_227 : f32 to vector<128x128xf32>
    %mul3A_234 = arith.mulf %mul3A_233, %get3A_232 : vector<128x128xf32>
    %add3A_235 = arith.addf %mul3A_224, %mul3A_234 : vector<128x128xf32>
    %dot_general3A_236 = arith.constant dense<0.000000e+00> : vector<2000x128xf32>
    %dot_general3A_237 = tpu.matmul %max3A_14, %add3A_235, %dot_general3A_236 {dimension_numbers = #tpu.dot_dimension_numbers<[1], [0], [0], [1], [0, 0, 1, 1], [], []>, transpose_lhs_hint = false} : vector<2000x128xf32>, vector<128x128xf32>, vector<2000x128xf32> -> vector<2000x128xf32>
    %swap3A_238 = arith.constant 7 : index
    %swap3A_239 = arith.constant 0 : index
    %swap3A_240 = arith.constant 0 : index
    %swap3A_241 = vector.load %arg8[%swap3A_238, %swap3A_239, %swap3A_240] : memref<8x2000x128xf32, #tpu.memory_space<vmem>>, vector<1x2000x128xf32>
    %swap3A_242 = vector.shape_cast %swap3A_241 : vector<1x2000x128xf32> to vector<2000x128xf32>
    %swap3A_243 = vector.shape_cast %dot_general3A_237 : vector<2000x128xf32> to vector<1x2000x128xf32>
    tpu.vector_store %arg8[%swap3A_238, %swap3A_239, %swap3A_240], %swap3A_243 {strides = array<i32>} : memref<8x2000x128xf32, #tpu.memory_space<vmem>>, vector<1x2000x128xf32>,
    %get3A_244 = arith.constant 0 : index
    %get3A_245 = arith.constant 0 : index
    %get3A_246 = vector.load %arg5[%get3A_244, %get3A_245] : memref<128x128xf32, #tpu.memory_space<vmem>>, vector<128x128xf32>
    %dot_general3A_247 = arith.constant dense<0.000000e+00> : vector<2000x128xf32>
    %dot_general3A_248 = tpu.matmul %max3A_14, %get3A_246, %dot_general3A_247 {dimension_numbers = #tpu.dot_dimension_numbers<[1], [0], [0], [1], [0, 0, 1, 1], [], []>, transpose_lhs_hint = false} : vector<2000x128xf32>, vector<128x128xf32>, vector<2000x128xf32> -> vector<2000x128xf32>
    %get3A_249 = arith.constant 0 : index
    %get3A_250 = arith.constant 0 : index
    %get3A_251 = vector.load %arg6[%get3A_249, %get3A_250] : memref<1x128xf32, #tpu.memory_space<vmem>>, vector<1x128xf32>
    %add3A_252 = vector.broadcast %get3A_251 : vector<1x128xf32> to vector<2000x128xf32>
    %add3A_253 = arith.addf %dot_general3A_248, %add3A_252 : vector<2000x128xf32>
    %get3A_254 = arith.constant 0 : index
    %get3A_255 = arith.constant 0 : index
    %get3A_256 = vector.load %arg7[%get3A_254, %get3A_255] : memref<2000x128xf32, #tpu.memory_space<vmem>>, vector<2000x128xf32>
    %mul3A_257 = arith.mulf %add3A_253, %get3A_256 : vector<2000x128xf32>
    %reduce_sum3A = vector.shape_cast %mul3A_257 : vector<2000x128xf32> to vector<1x2000x128xf32>
    %reduce_sum3A_258 = arith.constant dense<0.000000e+00> : vector<1xf32>
    %reduce_sum3A_259 = vector.multi_reduction <add>, %reduce_sum3A, %reduce_sum3A_258 [1, 2] : vector<1x2000x128xf32> to vector<1xf32>
    %reduce_sum3A_260 = vector.shape_cast %reduce_sum3A_259 : vector<1xf32> to vector<1x1x1xf32>
    %reduce_sum3A_261 = vector.extract %reduce_sum3A_260[0, 0, 0] : f32 from vector<1x1x1xf32>
    %eq3A = arith.constant 0 : i32
    %eq3A_262 = arith.cmpi eq, %arg0, %eq3A : i32
    %convert_element_type3A = arith.extui %eq3A_262 : i1 to i32
    %cond3A = arith.constant 0 : i32
    %cond3A_263 = arith.cmpi ne, %convert_element_type3A, %cond3A : i32
    scf.if %cond3A_263 {
      %broadcast_in_dim3A = arith.constant 0.000000e+00 : f32
      %broadcast_in_dim3A_272 = vector.broadcast %broadcast_in_dim3A : f32 to vector<1x1xf32>
      %swap3A_273 = arith.constant 0 : index
      %swap3A_274 = arith.constant 0 : index
      %swap3A_275 = vector.load %arg9[%swap3A_273, %swap3A_274] : memref<1x1xf32, #tpu.memory_space<vmem>>, vector<1x1xf32>
      tpu.vector_store %arg9[%swap3A_273, %swap3A_274], %broadcast_in_dim3A_272 {strides = array<i32>} : memref<1x1xf32, #tpu.memory_space<vmem>>, vector<1x1xf32>,
    } else {
    }
    %get3A_264 = arith.constant 0 : index
    %get3A_265 = arith.constant 0 : index
    %get3A_266 = vector.load %arg9[%get3A_264, %get3A_265] : memref<1x1xf32, #tpu.memory_space<vmem>>, vector<1x1xf32>
    %add3A_267 = vector.broadcast %reduce_sum3A_261 : f32 to vector<1x1xf32>
    %add3A_268 = arith.addf %get3A_266, %add3A_267 : vector<1x1xf32>
    %swap3A_269 = arith.constant 0 : index
    %swap3A_270 = arith.constant 0 : index
    %swap3A_271 = vector.load %arg9[%swap3A_269, %swap3A_270] : memref<1x1xf32, #tpu.memory_space<vmem>>, vector<1x1xf32>
    tpu.vector_store %arg9[%swap3A_269, %swap3A_270], %add3A_268 {strides = array<i32>} : memref<1x1xf32, #tpu.memory_space<vmem>>, vector<1x1xf32>,
    return
  }
  func.func @transform_0(%arg0: i32) -> (i32, i32, i32) {
    %c0_i32 = arith.constant 0 : i32
    %c0_i32_0 = arith.constant 0 : i32
    %c0_i32_1 = arith.constant 0 : i32
    return %c0_i32, %arg0, %c0_i32_0 : i32, i32, i32
  }
  func.func @transform_1(%arg0: i32) -> (i32, i32) {
    %c0_i32 = arith.constant 0 : i32
    %c0_i32_0 = arith.constant 0 : i32
    return %arg0, %c0_i32 : i32, i32
  }
  func.func @transform_2(%arg0: i32) -> (i32, i32) {
    %c0_i32 = arith.constant 0 : i32
    %c0_i32_0 = arith.constant 0 : i32
    %c0_i32_1 = arith.constant 0 : i32
    return %c0_i32, %c0_i32_0 : i32, i32
  }
  func.func @transform_3(%arg0: i32) -> (i32, i32, i32) {
    %c0_i32 = arith.constant 0 : i32
    %c0_i32_0 = arith.constant 0 : i32
    %c0_i32_1 = arith.constant 0 : i32
    %c0_i32_2 = arith.constant 0 : i32
    return %c0_i32, %c0_i32_0, %c0_i32_1 : i32, i32, i32
  }
  func.func @transform_4(%arg0: i32) -> (i32, i32) {
    %c0_i32 = arith.constant 0 : i32
    %c0_i32_0 = arith.constant 0 : i32
    %c0_i32_1 = arith.constant 0 : i32
    return %c0_i32, %c0_i32_0 : i32, i32
  }
  func.func @transform_5(%arg0: i32) -> (i32, i32) {
    %c0_i32 = arith.constant 0 : i32
    %c0_i32_0 = arith.constant 0 : i32
    %c0_i32_1 = arith.constant 0 : i32
    return %c0_i32, %c0_i32_0 : i32, i32
  }
  func.func @transform_6(%arg0: i32) -> (i32, i32) {
    %c0_i32 = arith.constant 0 : i32
    %c0_i32_0 = arith.constant 0 : i32
    return %arg0, %c0_i32 : i32, i32
  }
  func.func @transform_7(%arg0: i32) -> (i32, i32, i32) {
    %c0_i32 = arith.constant 0 : i32
    %c0_i32_0 = arith.constant 0 : i32
    %c0_i32_1 = arith.constant 0 : i32
    return %c0_i32, %arg0, %c0_i32_0 : i32, i32, i32
  }
  func.func @transform_8(%arg0: i32) -> (i32, i32) {
    %c0_i32 = arith.constant 0 : i32
    %c0_i32_0 = arith.constant 0 : i32
    %c0_i32_1 = arith.constant 0 : i32
    return %c0_i32, %c0_i32_0 : i32, i32
  }
}

module attributes {stable_mosaic.version = 14 : i64} {
  func.func @body(%arg0: i32, %arg1: memref<2x2000x128xf32, #tpu.memory_space<vmem>>, %arg2: memref<1x1xf32, #tpu.memory_space<vmem>>, %arg3: memref<2000x128xf32, #tpu.memory_space<vmem>>, %arg4: memref<1xf32, #tpu.memory_space<smem>>, %arg5: memref<1x1xf32, #tpu.memory_space<vmem>>) attributes {dimension_semantics = [#tpu.dimension_semantics<arbitrary>], iteration_bounds = array<i64: 5>, scalar_prefetch = 0 : i64, scratch_operands = 0 : i64, tpu.core_type = #tpu.core_type<tc>, window_params = [{transform_indices = @transform_0, window_bounds = array<i64: 2, 2000, 128>}, {pipeline_mode = #tpu.pipeline_mode<synchronous>, transform_indices = @transform_1, window_bounds = array<i64: 1, 1>}, {transform_indices = @transform_2, window_bounds = array<i64: 2000, 128>}, {transform_indices = @transform_3, window_bounds = array<i64: 1>}, {pipeline_mode = #tpu.pipeline_mode<synchronous>, transform_indices = @transform_4, window_bounds = array<i64: 1, 1>}]} {
    %get3A = arith.constant 0 : index
    %get3A_0 = arith.constant 0 : index
    %get3A_1 = arith.constant 0 : index
    %get3A_2 = vector.load %arg1[%get3A, %get3A_0, %get3A_1] : memref<2x2000x128xf32, #tpu.memory_space<vmem>>, vector<1x2000x128xf32>
    %get3A_3 = vector.shape_cast %get3A_2 : vector<1x2000x128xf32> to vector<2000x128xf32>
    %get3A_4 = arith.constant 1 : index
    %get3A_5 = arith.constant 0 : index
    %get3A_6 = arith.constant 0 : index
    %get3A_7 = vector.load %arg1[%get3A_4, %get3A_5, %get3A_6] : memref<2x2000x128xf32, #tpu.memory_space<vmem>>, vector<1x2000x128xf32>
    %get3A_8 = vector.shape_cast %get3A_7 : vector<1x2000x128xf32> to vector<2000x128xf32>
    %add3A = arith.addf %get3A_3, %get3A_8 : vector<2000x128xf32>
    %get3A_9 = arith.constant 0 : index
    %get3A_10 = arith.constant 0 : index
    %get3A_11 = vector.load %arg3[%get3A_9, %get3A_10] : memref<2000x128xf32, #tpu.memory_space<vmem>>, vector<2000x128xf32>
    %mul3A = arith.mulf %add3A, %get3A_11 : vector<2000x128xf32>
    %reduce_sum3A = vector.shape_cast %mul3A : vector<2000x128xf32> to vector<1x2000x128xf32>
    %reduce_sum3A_12 = arith.constant dense<0.000000e+00> : vector<1xf32>
    %reduce_sum3A_13 = vector.multi_reduction <add>, %reduce_sum3A, %reduce_sum3A_12 [1, 2] : vector<1x2000x128xf32> to vector<1xf32>
    %reduce_sum3A_14 = vector.shape_cast %reduce_sum3A_13 : vector<1xf32> to vector<1x1x1xf32>
    %reduce_sum3A_15 = vector.extract %reduce_sum3A_14[0, 0, 0] : f32 from vector<1x1x1xf32>
    %eq3A = arith.constant 0 : i32
    %eq3A_16 = arith.cmpi eq, %arg0, %eq3A : i32
    %convert_element_type3A = arith.extui %eq3A_16 : i1 to i32
    %cond3A = arith.constant 0 : i32
    %cond3A_17 = arith.cmpi ne, %convert_element_type3A, %cond3A : i32
    scf.if %cond3A_17 {
      %broadcast_in_dim3A = arith.constant 0.000000e+00 : f32
      %broadcast_in_dim3A_30 = vector.broadcast %broadcast_in_dim3A : f32 to vector<1x1xf32>
      %swap3A_31 = arith.constant 0 : index
      %swap3A_32 = arith.constant 0 : index
      %swap3A_33 = vector.load %arg5[%swap3A_31, %swap3A_32] : memref<1x1xf32, #tpu.memory_space<vmem>>, vector<1x1xf32>
      tpu.vector_store %arg5[%swap3A_31, %swap3A_32], %broadcast_in_dim3A_30 {strides = array<i32>} : memref<1x1xf32, #tpu.memory_space<vmem>>, vector<1x1xf32>,
    } else {
    }
    %get3A_18 = arith.constant 0 : index
    %get3A_19 = arith.constant 0 : index
    %get3A_20 = vector.load %arg5[%get3A_18, %get3A_19] : memref<1x1xf32, #tpu.memory_space<vmem>>, vector<1x1xf32>
    %add3A_21 = vector.broadcast %reduce_sum3A_15 : f32 to vector<1x1xf32>
    %add3A_22 = arith.addf %get3A_20, %add3A_21 : vector<1x1xf32>
    %swap3A = arith.constant 0 : index
    %swap3A_23 = arith.constant 0 : index
    %swap3A_24 = vector.load %arg5[%swap3A, %swap3A_23] : memref<1x1xf32, #tpu.memory_space<vmem>>, vector<1x1xf32>
    tpu.vector_store %arg5[%swap3A, %swap3A_23], %add3A_22 {strides = array<i32>} : memref<1x1xf32, #tpu.memory_space<vmem>>, vector<1x1xf32>,
    %eq3A_25 = arith.constant 4 : i32
    %eq3A_26 = arith.cmpi eq, %arg0, %eq3A_25 : i32
    %convert_element_type3A_27 = arith.extui %eq3A_26 : i1 to i32
    %cond3A_28 = arith.constant 0 : i32
    %cond3A_29 = arith.cmpi ne, %convert_element_type3A_27, %cond3A_28 : i32
    scf.if %cond3A_29 {
      %get3A_30 = arith.constant 0 : index
      %get3A_31 = arith.constant 0 : index
      %get3A_32 = vector.load %arg5[%get3A_30, %get3A_31] : memref<1x1xf32, #tpu.memory_space<vmem>>, vector<1x1xf32>
      %get3A_33 = arith.constant 0 : index
      %get3A_34 = arith.constant 0 : index
      %get3A_35 = vector.load %arg2[%get3A_33, %get3A_34] : memref<1x1xf32, #tpu.memory_space<vmem>>, vector<1x1xf32>
      %add3A_36 = arith.addf %get3A_32, %get3A_35 : vector<1x1xf32>
      %get3A_37 = arith.constant 0 : index
      %get3A_38 = memref.load %arg4[%get3A_37] : memref<1xf32, #tpu.memory_space<smem>>
      %add3A_39 = vector.broadcast %get3A_38 : f32 to vector<1x1xf32>
      %add3A_40 = arith.addf %add3A_36, %add3A_39 : vector<1x1xf32>
      %neg3A = arith.constant 0.000000e+00 : f32
      %neg3A_41 = vector.broadcast %neg3A : f32 to vector<1x1xf32>
      %neg3A_42 = arith.subf %neg3A_41, %add3A_40 : vector<1x1xf32>
      %exp3A = math.exp %neg3A_42 : vector<1x1xf32>
      %add3A_43 = arith.constant 1.000000e+00 : f32
      %add3A_44 = vector.broadcast %add3A_43 : f32 to vector<1x1xf32>
      %add3A_45 = arith.addf %add3A_44, %exp3A : vector<1x1xf32>
      %div3A = arith.constant 1.000000e+00 : f32
      %div3A_46 = vector.broadcast %div3A : f32 to vector<1x1xf32>
      %div3A_47 = arith.divf %div3A_46, %add3A_45 : vector<1x1xf32>
      %swap3A_48 = arith.constant 0 : index
      %swap3A_49 = arith.constant 0 : index
      %swap3A_50 = vector.load %arg5[%swap3A_48, %swap3A_49] : memref<1x1xf32, #tpu.memory_space<vmem>>, vector<1x1xf32>
      tpu.vector_store %arg5[%swap3A_48, %swap3A_49], %div3A_47 {strides = array<i32>} : memref<1x1xf32, #tpu.memory_space<vmem>>, vector<1x1xf32>,
    } else {
    }
    return
  }
  func.func @transform_0(%arg0: i32) -> (i32, i32, i32) {
    %c0_i32 = arith.constant 0 : i32
    %c0_i32_0 = arith.constant 0 : i32
    %c0_i32_1 = arith.constant 0 : i32
    return %c0_i32, %arg0, %c0_i32_0 : i32, i32, i32
  }
  func.func @transform_1(%arg0: i32) -> (i32, i32) {
    %c0_i32 = arith.constant 0 : i32
    %c0_i32_0 = arith.constant 0 : i32
    %c0_i32_1 = arith.constant 0 : i32
    return %c0_i32, %c0_i32_0 : i32, i32
  }
  func.func @transform_2(%arg0: i32) -> (i32, i32) {
    %c0_i32 = arith.constant 0 : i32
    %c0_i32_0 = arith.constant 0 : i32
    return %arg0, %c0_i32 : i32, i32
  }
  func.func @transform_3(%arg0: i32) -> i32 {
    %c0_i32 = arith.constant 0 : i32
    %c0_i32_0 = arith.constant 0 : i32
    return %c0_i32 : i32
  }
  func.func @transform_4(%arg0: i32) -> (i32, i32) {
    %c0_i32 = arith.constant 0 : i32
    %c0_i32_0 = arith.constant 0 : i32
    %c0_i32_1 = arith.constant 0 : i32
    return %c0_i32, %c0_i32_0 : i32, i32
  }
}

</mosaic_0001>

<sc_bundles>
// kernel: kernel.11.cloned.1.call-start
scs
__scs_entry_jumppad:
0x0: {  	(pc) =	sbr.rel $0x88, $3  }
0x1: {  	(tag) =	ssettag $0x0;
	lr =	simm.s32 $0x1  }
0x2: {  	[smem:$0x3F94] =	sst lr;
	_ =	strace $0xD0000000  }
0x3: {  	_ = 	snop  }
0x4: {  	_ = 	snop  }
0x5: {  	_ = 	snop  }
0x6: {  	_ = 	snop  }
0x7: {  	_ = 	snop  }
__scs_overlays_trampoline_lowered:
0x8: {  	[smem:$0x3FA3] =	sst s0  }
0x9: {  	[smem:$0x3FA4] =	sst s1  }
0xa: {  	[smem:$0x3FA5] =	sst s2  }
0xb: {  	[smem:$0x3FA6] =	sst s3  }
0xc: {  	[smem:$0x3FA7] =	sst s4  }
0xd: {  	[smem:$0x3FA8] =	sst s5  }
0xe: {  	[smem:$0x3FA9] =	sst s6  }
0xf: {  	[smem:$0x3FAA] =	sst s7  }
0x10: {  	[smem:$0x3FAB] =	sst s8  }
0x11: {  	[smem:$0x3FAC] =	sst s9;
	s0 =	simm.s32 @!p0 $0x0  }
0x12: {  	s1 =	sld [smem:$0x3F92];
	s0 =	simm.s32 @p0 $0x1  }
0x13: {  	[smem:$0x3FAD] =	sst s0;
	s0 =	simm.s32 @!p1 $0x0  }
0x14: {  	s2 =	sld [smem:$0x3F91];
	s0 =	simm.s32 @p1 $0x1  }
0x15: {  	[smem:$0x3FAE] =	sst s0;
	s0 =	simm.s32 @!p2 $0x0  }
0x16: {  	s3 =	sld [smem:$0x3FDB];
	s0 =	simm.s32 @p2 $0x1  }
0x17: {  	s4 =	simm.s32 $0x1BF5;
	[smem:$0x3FB0] =	sst s0  }
0x18: {  	s0 =	sld [smem:$0x3F93];
	_ =	swait.ge [sflag:s4], $0x0  }
0x19: {  	s7 =	sld [smem:$0x3F94]  }
0x1a: {  	s8 =	sadd.s32 $0xFFFFE003, lr  }
0x1b: {  	s9 =	sadd.s32 $0xFFFFFEF7, lr;
	s5 =	simm.s32 $0xFFFFFFFF;
	p2 =	slt.u32 s8, $0xFFFFF086  }
0x1c: {  	p1 =	slt.u32 s9, $0xF7A;
	s5 =	simm.s32 @!p2 $0x0  }
0x1d: {  	s5 =	simm.s32 @p1 $0x1;
	p0 =	seq.s32 s7, s2  }
0x1e: {  	s7 =	smul.u32 @!p0 $0xF7A, s2;
	p2 =	seq.s32 @!p0 s5, $0x0  }
0x1f: {  	s9 =	smul.u32 $0xF7A, s1;
	s8 =	simm.s32 @!p0 $0x1BF5;
	p2 =	por !p2, p0  }
0x20: {  	[sflag:s8] =	ssyncset.s32 @!p0 $0xFFFFF086;
	s6 =	sadd.s32 @!p0 s3, s7;
	s7 =	simm.s32 @!p0 $0x108  }
0x21: {  	s3 =	sadd.s32 s3, s9;
	s6 =	sadd.s32 @!p0 $0x88, s6;
	s7 =	simm.s32 @p2 $0x1082  }
0x22: {  	[simem:s7], [sflag:s8] =	dma.local @!p0 [hbm:s6], $0xF7A  }
0x23: {  	s9 =	sor.u32 $0xD0000000, s2;
	s6 =	simm.s32 $0x108;
	_ =	swait.ge @!p0 [sflag:s8], $0x0  }
0x24: {  	s3 =	sadd.s32 $0x88, s3;
	s6 =	simm.s32 @!p1 $0x1082;
	[sflag:s4] =	ssyncset.s32 $0xFFFFF086  }
0x25: {  	[simem:s6], [sflag:s4] =	dma.local [hbm:s3], $0xF7A  }
0x26: {  	[smem:$0x3F94] =	sst s1;
	(tag) =	ssettag s2;
	_ =	strace s9  }
0x27: {  	s1 =	sld [smem:$0x3FA4]  }
0x28: {  	s2 =	sld [smem:$0x3FA5]  }
0x29: {  	s4 =	sld [smem:$0x3FA7]  }
0x2a: {  	p0 =	seq.s32 s5, $0x0;
	s5 =	sld [smem:$0x3FA8]  }
0x2b: {  	s6 =	sld [smem:$0x3FA9]  }
0x2c: {  	s7 =	sld [smem:$0x3FAA]  }
0x2d: {  	s3 =	simm.s32 $0x108;
	s8 =	sld [smem:$0x3FAB]  }
0x2e: {  	s3 =	simm.s32 @!p0 $0x1082;
	s9 =	sld [smem:$0x3FAC]  }
0x2f: {  	lr =	sadd.s32 s0, s3;
	s0 =	sld [smem:$0x3FA3]  }
0x30: {  	s3 =	sld [smem:$0x3FA6]  }
0x31: {  	[smem:$0x3FAF] =	sst s10  }
0x32: {  	s10 =	sld [smem:$0x3FAD];
	_ =	sdelay $0x3  }
0x33: {  	p0 =	seq.s32 s10, $0x1;
	s10 =	sld [smem:$0x3FAF];
	_ =	sdelay $0x3  }
0x34: {  	[smem:$0x3FAF] =	sst s10  }
0x35: {  	s10 =	sld [smem:$0x3FAE];
	_ =	sdelay $0x3  }
0x36: {  	p1 =	seq.s32 s10, $0x1;
	s10 =	sld [smem:$0x3FAF];
	_ =	sdelay $0x3  }
0x37: {  	[smem:$0x3FAF] =	sst s10  }
0x38: {  	s10 =	sld [smem:$0x3FB0]  }
0x39: {  	_ = 	snop;
	(pc) =	sbr.ind lr, $3  }
0x3a: {  	_ = 	snop  }
0x3b: {  	_ = 	snop  }
0x3c: {  	p2 =	seq.s32 s10, $0x1;
	s10 =	sld [smem:$0x3FAF]  }
0x3d: {  	_ =	shalt  }
0x3e: {  	_ =	shalt  }
0x3f: {  	_ =	shalt  }
0x40: {  	_ =	shalt  }
0x41: {  	_ =	shalt  }
0x42: {  	_ =	shalt  }
0x43: {  	_ =	shalt  }
0x44: {  	_ =	shalt  }
0x45: {  	_ =	shalt  }
0x46: {  	_ =	shalt  }
0x47: {  	_ =	shalt  }
0x48: {  	_ =	shalt  }
0x49: {  	_ =	shalt  }
0x4a: {  	_ =	shalt  }
0x4b: {  	_ =	shalt  }
0x4c: {  	_ =	shalt  }
0x4d: {  	_ =	shalt  }
0x4e: {  	_ =	shalt  }
0x4f: {  	_ =	shalt  }
0x50: {  	_ =	shalt  }
0x51: {  	_ =	shalt  }
0x52: {  	_ =	shalt  }
0x53: {  	_ =	shalt  }
0x54: {  	_ =	shalt  }
0x55: {  	_ =	shalt  }
0x56: {  	_ =	shalt  }
0x57: {  	_ =	shalt  }
0x58: {  	_ =	shalt  }
0x59: {  	_ =	shalt  }
0x5a: {  	_ =	shalt  }
0x5b: {  	_ =	shalt  }
0x5c: {  	_ =	shalt  }
0x5d: {  	_ =	shalt  }
0x5e: {  	_ =	shalt  }
0x5f: {  	_ =	shalt  }
0x60: {  	_ =	shalt  }
0x61: {  	_ =	shalt  }
0x62: {  	_ =	shalt  }
0x63: {  	_ =	shalt  }
0x64: {  	_ =	shalt  }
0x65: {  	_ =	shalt  }
0x66: {  	_ =	shalt  }
0x67: {  	_ =	shalt  }
0x68: {  	_ =	shalt  }
0x69: {  	_ =	shalt  }
0x6a: {  	_ =	shalt  }
0x6b: {  	_ =	shalt  }
0x6c: {  	_ =	shalt  }
0x6d: {  	_ =	shalt  }
0x6e: {  	_ =	shalt  }
0x6f: {  	_ =	shalt  }
0x70: {  	_ =	shalt  }
0x71: {  	_ =	shalt  }
0x72: {  	_ =	shalt  }
0x73: {  	_ =	shalt  }
0x74: {  	_ =	shalt  }
0x75: {  	_ =	shalt  }
0x76: {  	_ =	shalt  }
0x77: {  	_ =	shalt  }
0x78: {  	_ =	shalt  }
0x79: {  	_ =	shalt  }
0x7a: {  	_ =	shalt  }
0x7b: {  	_ =	shalt  }
0x7c: {  	_ =	shalt  }
0x7d: {  	_ =	shalt  }
0x7e: {  	_ =	shalt  }
0x7f: {  	_ =	shalt  }
0x80: {  	_ =	shalt  }
0x81: {  	_ =	shalt  }
0x82: {  	_ =	shalt  }
0x83: {  	_ =	shalt  }
0x84: {  	_ =	shalt  }
0x85: {  	_ =	shalt  }
0x86: {  	_ =	shalt  }
0x87: {  	_ =	shalt  }
.Lfunc_end0:
.L_simem_size_0:
called_computation.1_lowered:
.L_overlay_start_0:
0x88: {  	s2 =	sld [smem:$0x3FD9]  }
0x89: {  	s3 =	sld [smem:$0x3FFE];
	_ =	sdelay $0x1  }
0x8a: {  	s1 =	srdreg.scid  }
0x8b: {  	s0 =	sand.u32 $0x1, s1  }
0x8c: {  	s16 =	sshll.u32 s0, $0xA;
	s2 =	sadd.s32 s3, s2  }
0x8d: {  	s2 =	sadd.s32 s2, s16  }
0x8e: {  	[smem:$0x3FBB] =	sst s2  }
0x8f: {  	_ = 	snop  }
0x90: {  	(tm) =	ssettm $0x1  }
0x91: {  	s17 =	sld [smem:$0x3FFB];
	_ =	sdelay $0x3  }
0x92: {  	_ =	strace s17  }
0x93: {  	s2 =	sld [smem:$0x3FFC];
	_ =	sdelay $0x3  }
0x94: {  	_ =	strace s2  }
0x95: {  	s2 =	sld [smem:$0x3FFD];
	_ =	sdelay $0x3  }
0x96: {  	_ =	strace s2  }
0x97: {  	_ =	strace $0x8FFFFFFF  }
0x98: {  	s18 =	sld [smem:$0x3FDB];
	_ =	sdelay $0x1  }
0x99: {  	s19 =	simm.s32 $_scs_section_size  }
0x9a: {  	s4 =	simm.s32 $_size__tile_overlayer_lowered;
	s5 =	simm.s32 $_tile_overlayer_lowered  }
0x9b: {  	s22 =	simm.s32 $0x1BFF;
	s21 =	sshll.u32 s5, $0x1;
	s2 =	sadd.s32 s19, s18  }
0x9c: {  	s6 =	simm.s32 $0x0;
	s20 =	sshll.u32 s4, $0x1;
	s4 =	sadd.s32 s21, s2  }
0x9d: {  	[timem:s6], [sflag:s22] =	dma.local [hbm:s4], s20  }
0x9e: {  	_ =	swait.ge [sflag:s22], s20  }
0x9f: {  	s3 =	ssub.s32 $0x0, s20;
	[sflag:s22] =	ssyncset.done $0x0  }
0xa0: {  	[sflag:s22] =	ssyncadd.s32 s3;
	_ =	sdelay $0x1  }
0xa1: {  	s23 =	simm.s32 $0x1B8B  }
0xa2: {  	_ =	swait.ge [sflag:s23], $0x1  }
0xa3: {  	[sflag:s23] =	ssyncset.done $0x0  }
0xa4: {  	s25 =	simm.s32 $0x1B8E;
	s24 =	sld [smem:$0x3FFE];
	[sflag:s23] =	ssyncadd.s32 $0xFFFFFFFF  }
0xa5: {  	s26 =	simm.s32 $execute0_lowered;
	[smem:$0x3FD2] =	sst s25  }
0xa6: {  	s4 =	sshll.u32 s26, $0x1;
	_ =	strace $0x80000049;
	[dreg:$0x1] =	wrdreg $0xFFFFFFFF  }
0xa7: {  	s28 =	simm.s32 $_size_execute0_lowered;
	s2 =	sadd.s32 s2, s4;
	[dreg:$0x0] =	wrdreg $0x0  }
0xa8: {  	s4 =	sshll.u32 s28, $0x1;
	[dreg:$0x2] =	wrdreg s2  }
0xa9: {  	[dreg:$0x3] =	wrdreg s4  }
0xaa: {  	[dreg:$0x4] =	wrdreg $0xC0  }
0xab: {  	_ =	task [dreg:s6], $0x5FFFF  }
0xac: {  	[dreg:$0x1] =	wrdreg $0xFFFFFFFF  }
0xad: {  	[dreg:$0x0] =	wrdreg $0x60  }
0xae: {  	[dreg:$0x2] =	wrdreg s24  }
0xaf: {  	[dreg:$0x3] =	wrdreg $0xA8000  }
0xb0: {  	[dreg:$0x4] =	wrdreg $0x9  }
0xb1: {  	_ =	task.clear_ibuf [dreg:s6], $0x5FFFF;
	_ =	strace $0x90000049  }
0xb2: {  	s29 =	simm.s32 $0x9;
	_ =	strace $0x8000004B  }
0xb3: {  	_ =	swait.ge [sflag:s29], $0x1  }
0xb4: {  	[sflag:s29] =	ssyncadd.s32 $0xFFFFFFFF  }
0xb5: {  	_ =	strace $0x9000004B  }
0xb6: {  	_ =	sfence  }
0xb7: {  	s30 =	sld [smem:$0x0];
	_ =	sdelay $0x2  }
0xb8: {  	s31 =	sshll.u32 s1, $0xD;
	s1 =	sshrl.u32 s1, $0x2  }
0xb9: {  	s3 =	sand.u32 $0x4000, s31;
	s1 =	sadd.s32 s1, s30  }
0xba: {  	s0 =	sor.u32 s3, s0;
	s1 =	sshll.u32 s1, $0x11  }
0xbb: {  	s0 =	sor.u32 s1, s0  }
0xbc: {  	s0 =	sadd.s32 $0x8F2B, s0  }
0xbd: {  	[sflag:s0] =	ssyncadd.remote.s32 $0x1  }
0xbe: {  	_ =	sfence.sel $0xFFFF  }
0xbf: {  	[dreg:$0x0] =	wrdreg $0xFFFFFFFF;
	(pc) =	sbr.abs _section_cstart, $3  }
0xc0: {  	[dreg:$0x1] =	wrdreg $0xFFFFFFFF  }
0xc1: {  	_ =	task.clear_ibuf [dreg:s6], $0x2FFFF;
	_ =	strace $0x9FFFFFFF  }
0xc2: {  	(tm) =	ssettm $0x7FFFFFFF  }
0xc3: {  	_ =	shalt  }
tec
execute0_lowered:
.L_overlay_start_1:
0x0: {  	(tag) =	ssettag $0x1  }
0x1: {  	s0 =	srdreg.scid;
	s6 =	rddreg [dreg:$0x0]  }
0x2: {  	s2 =	rddreg [dreg:$0x1];
	s1 =	stileid.u32;
	s3 =	simm.s32 $0x0  }
0x3: {  	s14 =	simm.s32 $0x2800;
	s15 =	simm.s32 $0x1480;
	s16 =	simm.s32 $0x6800  }
0x4: {  	s20 =	simm.s32 $0x1;
	s21 =	simm.s32 $0x2;
	s22 =	simm.s32 $0x1300  }
0x5: {  	s23 =	simm.s32 $0x1380;
	s5 =	sand.u32 $0x1, s0;
	s0 =	rddreg [dreg:$0x2]  }
0x6: {  	s24 =	simm.s32 $0x0;
	[smem:$0x7FF] =	sst s3;
	s8 =	smul.u32 $0x4E000, s1  }
0x7: {  	s12 =	smul.u32 $0x13800, s1;
	s13 =	sadd.s32 $0x147A00, s6;
	s19 =	sadd.s32 $0x138000, s2  }
0x8: {  	p0 =	sne.s32 s1, $0xF;
	s17 =	sshll.u32 s1, $0x6;
	s4 =	sshll.u32 s5, $0x4  }
0x9: {  	_ =	strace $0x8000004A;
	s9 =	ssub.s32 $0x2, s5;
	s10 =	smul.u32 $0x138800, s5  }
0xa: {  	s5 =	sadd.s32 $0x145000, s6;
	s17 =	sor.u32 $0x1C03, s17;
	s19 =	sshrl.u32 @!p0 s19, $0x3  }
0xb: {  	s4 =	sor.u32 s1, s4;
	s11 =	sshrl.u32 s9, $0x1;
	s8 =	sshrl.u32 s8, $0x2  }
0xc: {  	s7 =	smul.u32 $0x280, s4;
	s4 =	sadd.s32 $0xC800, s6;
	s11 =	ssub.s32 s9, s11  }
0xd: {  	s29 =	sadd.s32 s12, s10;
	s18 =	sadd.s32 s8, s2;
	s31 =	sshrl.u32 s10, $0x3  }
0xe: {  	s12 =	simm.s32 $0x3;
	s30 =	sshrl.u32 s29, $0x3;
	s9 =	sadd.s32 s13, s31  }
0xf: {  	s10 =	smax.u32 s11, $0x1;
	s11 =	simm.s32 $0x1400;
	s18 =	sshrl.u32 s18, $0x3  }
0x10: {  	s7 =	sadd.s32 s7, s6;
	s8 =	sadd.s32 s13, s30;
	s9 =	sadd.s32 $0x27000, s9  }
0x11: {  	s13 =	simm.s32 $0x80;
	s6 =	sadd.s32 $0x2800, s7;
	s7 =	sadd.s32 $0x7800, s7  }
.LBB2_1:
0x12: {  	[tilespmem:s11], [sflag:$0x3] =	stream.linear.gather [hbm4b:s6+s3], $0x1400, $0x38;
	[tilespmem:$0x1E100] =	vst v63  }
0x13: {  	_ =	swait.ge [sflag:s12], $0x1400  }
0x14: {  	[sflag:s12] =	ssyncset.done $0x0  }
0x15: {  	[sflag:s12] =	ssyncadd.s32 $0xFFFFEC00  }
0x16: {  	[tilespmem:s14], [sflag:$0x1] =	stream.indirect.gather [hbm4b:s4+s13], $0x80, s11, s13, $0xb8;
	[tilespmem:$0x1E100] =	vst v63  }
0x17: {  	_ = 	snop  }
0x18: {  	[tilespmem:s16], [sflag:$0x2] =	stream.indirect.gather [hbm4b:s4+s13], $0x80, s15, s13, $0xb8;
	[tilespmem:$0x1E100] =	vst v63  }
0x19: {  	_ = 	snop  }
0x1a: {  	[tilespmem:s3], [sflag:$0x3] =	stream.linear.gather [hbm4b:s7+s3], $0x1400, $0x38;
	[tilespmem:$0x1E100] =	vst v63  }
0x1b: {  	_ =	swait.ge [sflag:s12], $0x1400  }
0x1c: {  	[sflag:s12] =	ssyncset.done $0x0  }
0x1d: {  	[sflag:s12] =	ssyncadd.s32 $0xFFFFEC00  }
0x1e: {  	[spmem:s18], [sflag:s17] =	dma.local [hbm:s5], $0x2700  }
0x1f: {  	_ =	swait.ge [sflag:s12], $0x2700  }
0x20: {  	[sflag:s12] =	ssyncset.done $0x0  }
0x21: {  	s25 =	simm.s32 @!p0 $0x3;
	[sflag:s12] =	ssyncadd.s32 $0xFFFFD900  }
0x22: {  	[spmem:s19], [sflag:s17] =	dma.local @!p0 [hbm:s5], $0x200  }
0x23: {  	_ =	swait.ge @!p0 [sflag:s25], $0x200  }
0x24: {  	[sflag:s25] =	ssyncset.done @!p0 $0x0  }
0x25: {  	[sflag:s25] =	ssyncadd.s32 @!p0 $0xFFFFFE00  }
0x26: {  	[bflag:$0x0] =	sbarrier.arrive $0xFFFF  }
0x27: {  	_ =	swait.ge [sflag:s20], $0x4000  }
0x28: {  	[sflag:s20] =	ssyncset.done $0x0  }
0x29: {  	s29 =	simm.s32 $0x0;
	[sflag:s20] =	ssyncadd.s32 $0xFFFFC000  }
0x2a: {  	[spmem:s2] =	stream.indirect.scatter.add.f32 [tilespmem:s14], [sflag:$0x3], $0x80, s29, s13, $0xb8;
	[tilespmem:$0x1E100] =	vst v63  }
0x2b: {  	_ =	swait.ge [sflag:s12], $0x4000  }
0x2c: {  	[sflag:s12] =	ssyncset.done $0x0  }
0x2d: {  	s30 =	simm.s32 $0x1500;
	[sflag:s12] =	ssyncadd.s32 $0xFFFFC000  }
0x2e: {  	[tilespmem:s14], [sflag:$0x1] =	stream.indirect.gather [hbm4b:s4+s13], $0x80, s30, s13, $0xb8;
	[tilespmem:$0x1E100] =	vst v63  }
0x2f: {  	_ =	swait.ge [sflag:s21], $0x4000  }
0x30: {  	[sflag:s21] =	ssyncset.done $0x0  }
0x31: {  	s31 =	simm.s32 $0x80;
	[sflag:s21] =	ssyncadd.s32 $0xFFFFC000  }
0x32: {  	[spmem:s2] =	stream.indirect.scatter.add.f32 [tilespmem:s16], [sflag:$0x3], $0x80, s31, s13, $0xb8;
	[tilespmem:$0x1E100] =	vst v63  }
0x33: {  	_ =	swait.ge [sflag:s12], $0x4000  }
0x34: {  	[sflag:s12] =	ssyncset.done $0x0  }
0x35: {  	s26 =	simm.s32 $0x1580;
	s25 =	simm.s32 $0x400;
	[sflag:s12] =	ssyncadd.s32 $0xFFFFC000  }
.LBB2_2:
0x36: {  	[tilespmem:s16], [sflag:$0x2] =	stream.indirect.gather [hbm4b:s4+s13], $0x80, s26, s13, $0xb8;
	[tilespmem:$0x1E100] =	vst v63  }
0x37: {  	s26 =	smov.u32 s25  }
0x38: {  	p1 =	sne.s32 s25, $0x4800;
	s25 =	sadd.s32 $0x400, s25;
	_ =	swait.ge [sflag:s20], $0x4000  }
0x39: {  	[sflag:s20] =	ssyncset.done $0x0  }
0x3a: {  	s26 =	sshra.s32 s26, $0x2;
	[sflag:s20] =	ssyncadd.s32 $0xFFFFC000  }
0x3b: {  	[spmem:s2] =	stream.indirect.scatter.add.f32 [tilespmem:s14], [sflag:$0x3], $0x80, s26, s13, $0xb8;
	[tilespmem:$0x1E100] =	vst v63  }
0x3c: {  	_ =	swait.ge [sflag:s12], $0x4000  }
0x3d: {  	[sflag:s12] =	ssyncset.done $0x0  }
0x3e: {  	s28 =	sadd.s32 $0x1500, s26;
	[sflag:s12] =	ssyncadd.s32 $0xFFFFC000  }
0x3f: {  	[tilespmem:s14], [sflag:$0x1] =	stream.indirect.gather [hbm4b:s4+s13], $0x80, s28, s13, $0xb8;
	[tilespmem:$0x1E100] =	vst v63  }
0x40: {  	_ =	swait.ge [sflag:s21], $0x4000  }
0x41: {  	[sflag:s21] =	ssyncset.done $0x0  }
.Ltmp0:
0x42: {  	s28 =	sadd.s32 $0x80, s26;
	[sflag:s21] =	ssyncadd.s32 $0xFFFFC000;
	(pc) =	sbr.rel @p1 .LBB2_2-.Ltmp0, $4  }
0x43: {  	[spmem:s2] =	stream.indirect.scatter.add.f32 [tilespmem:s16], [sflag:$0x3], $0x80, s28, s13, $0xb8;
	[tilespmem:$0x1E100] =	vst v63  }
0x44: {  	_ =	swait.ge [sflag:s12], $0x4000  }
0x45: {  	[sflag:s12] =	ssyncset.done $0x0  }
0x46: {  	s26 =	sadd.s32 $0x1580, s26;
	[sflag:s12] =	ssyncadd.s32 $0xFFFFC000  }
0x47: {  	[tilespmem:s16], [sflag:$0x2] =	stream.indirect.gather [hbm4b:s4+s13], $0x80, s26, s13, $0xb8;
	[tilespmem:$0x1E100] =	vst v63  }
0x48: {  	_ =	swait.ge [sflag:s20], $0x4000  }
0x49: {  	[sflag:s20] =	ssyncset.done $0x0  }
0x4a: {  	[sflag:s20] =	ssyncadd.s32 $0xFFFFC000  }
0x4b: {  	[spmem:s2] =	stream.indirect.scatter.add.f32 [tilespmem:s14], [sflag:$0x3], $0x80, s22, s13, $0xb8;
	[tilespmem:$0x1E100] =	vst v63  }
0x4c: {  	_ =	swait.ge [sflag:s12], $0x4000  }
0x4d: {  	[sflag:s12] =	ssyncset.done $0x0  }
0x4e: {  	[sflag:s12] =	ssyncadd.s32 $0xFFFFC000  }
0x4f: {  	_ =	swait.ge [sflag:s21], $0x4000  }
0x50: {  	[sflag:s21] =	ssyncset.done $0x0  }
0x51: {  	[sflag:s21] =	ssyncadd.s32 $0xFFFFC000  }
0x52: {  	[spmem:s2] =	stream.indirect.scatter.add.f32 [tilespmem:s16], [sflag:$0x3], $0x80, s23, s13, $0xb8;
	[tilespmem:$0x1E100] =	vst v63  }
0x53: {  	_ =	swait.ge [sflag:s12], $0x4000  }
0x54: {  	[sflag:s12] =	ssyncset.done $0x0  }
0x55: {  	[sflag:s12] =	ssyncadd.s32 $0xFFFFC000  }
0x56: {  	[bflag:$0x0] =	sbarrier.arrive $0xFFFF  }
0x57: {  	[hbm:s8], [sflag:s17] =	dma.local [spmem:s18], $0x2700  }
0x58: {  	s24 =	sadd.s32 $0x1, s24;
	_ =	swait.ge [sflag:s12], $0x2700  }
0x59: {  	p1 =	sne.s32 s24, s10;
	[sflag:s12] =	ssyncset.done $0x0  }
.Ltmp1:
0x5a: {  	s25 =	simm.s32 @!p0 $0x3;
	[sflag:s12] =	ssyncadd.s32 $0xFFFFD900;
	(pc) =	sbr.rel @p1 .LBB2_1-.Ltmp1, $4  }
0x5b: {  	[hbm:s9], [sflag:s17] =	dma.local @!p0 [spmem:s19], $0x100  }
0x5c: {  	_ =	swait.ge @!p0 [sflag:s25], $0x100  }
0x5d: {  	[sflag:s25] =	ssyncset.done @!p0 $0x0  }
0x5e: {  	[sflag:s25] =	ssyncadd.s32 @!p0 $0xFFFFFF00  }
0x5f: {  	_ =	sfence.sel $0x180000  }
0x60: {  	[bflag:$0x0] =	sbarrier.arrive $0xFFFF  }
0x61: {  	p0 =	sne.s32 s1, $0x0;
	_ =	strace $0x9000004A  }
0x62: {  	s0 =	sadd.s32 @!p0 $0x100000, s0;
	[bflag:$0x2] =	sbarrier.arrive $0xFFFF  }
0x63: {  	[sflag:s0] =	ssyncadd.tile.s32 @!p0 $0x1;
	_ =	shalt  }
.Lfunc_end2:
_tile_overlayer_lowered:
.L_overlay_start_2:
0x64: {  	(tag) =	ssettag $0x2  }
0x65: {  	s0 =	rddreg [dreg:$0x0];
	s2 =	stileid.u32  }
0x66: {  	s1 =	rddreg [dreg:$0x1];
	p0 =	sne.s32 s2, $0x0  }
0x67: {  	s3 =	rddreg [dreg:$0x2];
	[bflag:$0x3] =	sbarrier.arrive $0xFFFF;
	s2 =	simm.s32 @!p0 $0x1C03  }
0x68: {  	[timem:s3], [sflag:s2] =	dma.local @!p0 [hbm:s0], s1  }
0x69: {  	s0 =	simm.s32 @!p0 $0x3  }
0x6a: {  	_ =	swait.ge @!p0 [sflag:s0], s1  }
0x6b: {  	s1 =	ssub.s32 @!p0 $0x0, s1;
	[sflag:s0] =	ssyncset.done @!p0 $0x0  }
0x6c: {  	[sflag:s0] =	ssyncadd.s32 @!p0 s1  }
0x6d: {  	[bflag:$0x3] =	sbarrier.arrive $0xFFFF  }
0x6e: {  	_ =	shalt  }

// kernel: kernel.8.cloned.1.call-start
scs
__scs_entry_jumppad:
0x0: {  	(pc) =	sbr.rel $0x88, $3  }
0x1: {  	(tag) =	ssettag $0x0;
	lr =	simm.s32 $0x1  }
0x2: {  	[smem:$0x3F94] =	sst lr;
	_ =	strace $0xD0000000  }
0x3: {  	_ = 	snop  }
0x4: {  	_ = 	snop  }
0x5: {  	_ = 	snop  }
0x6: {  	_ = 	snop  }
0x7: {  	_ = 	snop  }
__scs_overlays_trampoline_lowered:
0x8: {  	[smem:$0x3FA3] =	sst s0  }
0x9: {  	[smem:$0x3FA4] =	sst s1  }
0xa: {  	[smem:$0x3FA5] =	sst s2  }
0xb: {  	[smem:$0x3FA6] =	sst s3  }
0xc: {  	[smem:$0x3FA7] =	sst s4  }
0xd: {  	[smem:$0x3FA8] =	sst s5  }
0xe: {  	[smem:$0x3FA9] =	sst s6  }
0xf: {  	[smem:$0x3FAA] =	sst s7  }
0x10: {  	[smem:$0x3FAB] =	sst s8  }
0x11: {  	[smem:$0x3FAC] =	sst s9;
	s0 =	simm.s32 @!p0 $0x0  }
0x12: {  	s1 =	sld [smem:$0x3F92];
	s0 =	simm.s32 @p0 $0x1  }
0x13: {  	[smem:$0x3FAD] =	sst s0;
	s0 =	simm.s32 @!p1 $0x0  }
0x14: {  	s2 =	sld [smem:$0x3F91];
	s0 =	simm.s32 @p1 $0x1  }
0x15: {  	[smem:$0x3FAE] =	sst s0;
	s0 =	simm.s32 @!p2 $0x0  }
0x16: {  	s3 =	sld [smem:$0x3FDB];
	s0 =	simm.s32 @p2 $0x1  }
0x17: {  	s4 =	simm.s32 $0x1BF5;
	[smem:$0x3FB0] =	sst s0  }
0x18: {  	s0 =	sld [smem:$0x3F93];
	_ =	swait.ge [sflag:s4], $0x0  }
0x19: {  	s7 =	sld [smem:$0x3F94]  }
0x1a: {  	s8 =	sadd.s32 $0xFFFFE003, lr  }
0x1b: {  	s9 =	sadd.s32 $0xFFFFFEF7, lr;
	s5 =	simm.s32 $0xFFFFFFFF;
	p2 =	slt.u32 s8, $0xFFFFF086  }
0x1c: {  	p1 =	slt.u32 s9, $0xF7A;
	s5 =	simm.s32 @!p2 $0x0  }
0x1d: {  	s5 =	simm.s32 @p1 $0x1;
	p0 =	seq.s32 s7, s2  }
0x1e: {  	s7 =	smul.u32 @!p0 $0xF7A, s2;
	p2 =	seq.s32 @!p0 s5, $0x0  }
0x1f: {  	s9 =	smul.u32 $0xF7A, s1;
	s8 =	simm.s32 @!p0 $0x1BF5;
	p2 =	por !p2, p0  }
0x20: {  	[sflag:s8] =	ssyncset.s32 @!p0 $0xFFFFF086;
	s6 =	sadd.s32 @!p0 s3, s7;
	s7 =	simm.s32 @!p0 $0x108  }
0x21: {  	s3 =	sadd.s32 s3, s9;
	s6 =	sadd.s32 @!p0 $0x88, s6;
	s7 =	simm.s32 @p2 $0x1082  }
0x22: {  	[simem:s7], [sflag:s8] =	dma.local @!p0 [hbm:s6], $0xF7A  }
0x23: {  	s9 =	sor.u32 $0xD0000000, s2;
	s6 =	simm.s32 $0x108;
	_ =	swait.ge @!p0 [sflag:s8], $0x0  }
0x24: {  	s3 =	sadd.s32 $0x88, s3;
	s6 =	simm.s32 @!p1 $0x1082;
	[sflag:s4] =	ssyncset.s32 $0xFFFFF086  }
0x25: {  	[simem:s6], [sflag:s4] =	dma.local [hbm:s3], $0xF7A  }
0x26: {  	[smem:$0x3F94] =	sst s1;
	(tag) =	ssettag s2;
	_ =	strace s9  }
0x27: {  	s1 =	sld [smem:$0x3FA4]  }
0x28: {  	s2 =	sld [smem:$0x3FA5]  }
0x29: {  	s4 =	sld [smem:$0x3FA7]  }
0x2a: {  	p0 =	seq.s32 s5, $0x0;
	s5 =	sld [smem:$0x3FA8]  }
0x2b: {  	s6 =	sld [smem:$0x3FA9]  }
0x2c: {  	s7 =	sld [smem:$0x3FAA]  }
0x2d: {  	s3 =	simm.s32 $0x108;
	s8 =	sld [smem:$0x3FAB]  }
0x2e: {  	s3 =	simm.s32 @!p0 $0x1082;
	s9 =	sld [smem:$0x3FAC]  }
0x2f: {  	lr =	sadd.s32 s0, s3;
	s0 =	sld [smem:$0x3FA3]  }
0x30: {  	s3 =	sld [smem:$0x3FA6]  }
0x31: {  	[smem:$0x3FAF] =	sst s10  }
0x32: {  	s10 =	sld [smem:$0x3FAD];
	_ =	sdelay $0x3  }
0x33: {  	p0 =	seq.s32 s10, $0x1;
	s10 =	sld [smem:$0x3FAF];
	_ =	sdelay $0x3  }
0x34: {  	[smem:$0x3FAF] =	sst s10  }
0x35: {  	s10 =	sld [smem:$0x3FAE];
	_ =	sdelay $0x3  }
0x36: {  	p1 =	seq.s32 s10, $0x1;
	s10 =	sld [smem:$0x3FAF];
	_ =	sdelay $0x3  }
0x37: {  	[smem:$0x3FAF] =	sst s10  }
0x38: {  	s10 =	sld [smem:$0x3FB0]  }
0x39: {  	_ = 	snop;
	(pc) =	sbr.ind lr, $3  }
0x3a: {  	_ = 	snop  }
0x3b: {  	_ = 	snop  }
0x3c: {  	p2 =	seq.s32 s10, $0x1;
	s10 =	sld [smem:$0x3FAF]  }
0x3d: {  	_ =	shalt  }
0x3e: {  	_ =	shalt  }
0x3f: {  	_ =	shalt  }
0x40: {  	_ =	shalt  }
0x41: {  	_ =	shalt  }
0x42: {  	_ =	shalt  }
0x43: {  	_ =	shalt  }
0x44: {  	_ =	shalt  }
0x45: {  	_ =	shalt  }
0x46: {  	_ =	shalt  }
0x47: {  	_ =	shalt  }
0x48: {  	_ =	shalt  }
0x49: {  	_ =	shalt  }
0x4a: {  	_ =	shalt  }
0x4b: {  	_ =	shalt  }
0x4c: {  	_ =	shalt  }
0x4d: {  	_ =	shalt  }
0x4e: {  	_ =	shalt  }
0x4f: {  	_ =	shalt  }
0x50: {  	_ =	shalt  }
0x51: {  	_ =	shalt  }
0x52: {  	_ =	shalt  }
0x53: {  	_ =	shalt  }
0x54: {  	_ =	shalt  }
0x55: {  	_ =	shalt  }
0x56: {  	_ =	shalt  }
0x57: {  	_ =	shalt  }
0x58: {  	_ =	shalt  }
0x59: {  	_ =	shalt  }
0x5a: {  	_ =	shalt  }
0x5b: {  	_ =	shalt  }
0x5c: {  	_ =	shalt  }
0x5d: {  	_ =	shalt  }
0x5e: {  	_ =	shalt  }
0x5f: {  	_ =	shalt  }
0x60: {  	_ =	shalt  }
0x61: {  	_ =	shalt  }
0x62: {  	_ =	shalt  }
0x63: {  	_ =	shalt  }
0x64: {  	_ =	shalt  }
0x65: {  	_ =	shalt  }
0x66: {  	_ =	shalt  }
0x67: {  	_ =	shalt  }
0x68: {  	_ =	shalt  }
0x69: {  	_ =	shalt  }
0x6a: {  	_ =	shalt  }
0x6b: {  	_ =	shalt  }
0x6c: {  	_ =	shalt  }
0x6d: {  	_ =	shalt  }
0x6e: {  	_ =	shalt  }
0x6f: {  	_ =	shalt  }
0x70: {  	_ =	shalt  }
0x71: {  	_ =	shalt  }
0x72: {  	_ =	shalt  }
0x73: {  	_ =	shalt  }
0x74: {  	_ =	shalt  }
0x75: {  	_ =	shalt  }
0x76: {  	_ =	shalt  }
0x77: {  	_ =	shalt  }
0x78: {  	_ =	shalt  }
0x79: {  	_ =	shalt  }
0x7a: {  	_ =	shalt  }
0x7b: {  	_ =	shalt  }
0x7c: {  	_ =	shalt  }
0x7d: {  	_ =	shalt  }
0x7e: {  	_ =	shalt  }
0x7f: {  	_ =	shalt  }
0x80: {  	_ =	shalt  }
0x81: {  	_ =	shalt  }
0x82: {  	_ =	shalt  }
0x83: {  	_ =	shalt  }
0x84: {  	_ =	shalt  }
0x85: {  	_ =	shalt  }
0x86: {  	_ =	shalt  }
0x87: {  	_ =	shalt  }
.Lfunc_end0:
.L_simem_size_0:
called_computation_lowered:
.L_overlay_start_0:
0x88: {  	s2 =	sld [smem:$0x3FD9]  }
0x89: {  	s3 =	sld [smem:$0x3FFE];
	_ =	sdelay $0x1  }
0x8a: {  	s1 =	srdreg.scid  }
0x8b: {  	s0 =	sand.u32 $0x1, s1  }
0x8c: {  	s16 =	sshll.u32 s0, $0xA;
	s2 =	sadd.s32 s3, s2  }
0x8d: {  	s2 =	sadd.s32 s2, s16  }
0x8e: {  	[smem:$0x3FBB] =	sst s2  }
0x8f: {  	_ = 	snop  }
0x90: {  	(tm) =	ssettm $0x1  }
0x91: {  	s17 =	sld [smem:$0x3FFB];
	_ =	sdelay $0x3  }
0x92: {  	_ =	strace s17  }
0x93: {  	s2 =	sld [smem:$0x3FFC];
	_ =	sdelay $0x3  }
0x94: {  	_ =	strace s2  }
0x95: {  	s2 =	sld [smem:$0x3FFD];
	_ =	sdelay $0x3  }
0x96: {  	_ =	strace s2  }
0x97: {  	_ =	strace $0x8FFFFFFF  }
0x98: {  	s18 =	sld [smem:$0x3FDB];
	_ =	sdelay $0x1  }
0x99: {  	s19 =	simm.s32 $_scs_section_size  }
0x9a: {  	s4 =	simm.s32 $_size__tile_overlayer_lowered;
	s5 =	simm.s32 $_tile_overlayer_lowered  }
0x9b: {  	s22 =	simm.s32 $0x1BFF;
	s21 =	sshll.u32 s5, $0x1;
	s2 =	sadd.s32 s19, s18  }
0x9c: {  	s6 =	simm.s32 $0x0;
	s20 =	sshll.u32 s4, $0x1;
	s4 =	sadd.s32 s21, s2  }
0x9d: {  	[timem:s6], [sflag:s22] =	dma.local [hbm:s4], s20  }
0x9e: {  	_ =	swait.ge [sflag:s22], s20  }
0x9f: {  	s3 =	ssub.s32 $0x0, s20;
	[sflag:s22] =	ssyncset.done $0x0  }
0xa0: {  	[sflag:s22] =	ssyncadd.s32 s3;
	_ =	sdelay $0x1  }
0xa1: {  	s23 =	simm.s32 $0x1B8B  }
0xa2: {  	_ =	swait.ge [sflag:s23], $0x1  }
0xa3: {  	[sflag:s23] =	ssyncset.done $0x0  }
0xa4: {  	s25 =	simm.s32 $0x1B8E;
	s24 =	sld [smem:$0x3FFE];
	[sflag:s23] =	ssyncadd.s32 $0xFFFFFFFF  }
0xa5: {  	s26 =	simm.s32 $execute0_lowered;
	[smem:$0x3FD2] =	sst s25  }
0xa6: {  	s4 =	sshll.u32 s26, $0x1;
	_ =	strace $0x80000046;
	[dreg:$0x1] =	wrdreg $0xFFFFFFFF  }
0xa7: {  	s28 =	simm.s32 $_size_execute0_lowered;
	s2 =	sadd.s32 s2, s4;
	[dreg:$0x0] =	wrdreg $0x0  }
0xa8: {  	s4 =	sshll.u32 s28, $0x1;
	[dreg:$0x2] =	wrdreg s2  }
0xa9: {  	[dreg:$0x3] =	wrdreg s4  }
0xaa: {  	[dreg:$0x4] =	wrdreg $0xC0  }
0xab: {  	_ =	task [dreg:s6], $0x5FFFF  }
0xac: {  	[dreg:$0x1] =	wrdreg $0xFFFFFFFF  }
0xad: {  	[dreg:$0x0] =	wrdreg $0x60  }
0xae: {  	[dreg:$0x2] =	wrdreg s24  }
0xaf: {  	[dreg:$0x3] =	wrdreg $0xA8000  }
0xb0: {  	[dreg:$0x4] =	wrdreg $0x9  }
0xb1: {  	_ =	task.clear_ibuf [dreg:s6], $0x5FFFF;
	_ =	strace $0x90000046  }
0xb2: {  	s29 =	simm.s32 $0x9;
	_ =	strace $0x80000048  }
0xb3: {  	_ =	swait.ge [sflag:s29], $0x1  }
0xb4: {  	[sflag:s29] =	ssyncadd.s32 $0xFFFFFFFF  }
0xb5: {  	_ =	strace $0x90000048  }
0xb6: {  	_ =	sfence  }
0xb7: {  	s30 =	sld [smem:$0x0];
	_ =	sdelay $0x2  }
0xb8: {  	s31 =	sshll.u32 s1, $0xD;
	s1 =	sshrl.u32 s1, $0x2  }
0xb9: {  	s3 =	sand.u32 $0x4000, s31;
	s1 =	sadd.s32 s1, s30  }
0xba: {  	s0 =	sor.u32 s3, s0;
	s1 =	sshll.u32 s1, $0x11  }
0xbb: {  	s0 =	sor.u32 s1, s0  }
0xbc: {  	s0 =	sadd.s32 $0x8F2B, s0  }
0xbd: {  	[sflag:s0] =	ssyncadd.remote.s32 $0x1  }
0xbe: {  	_ =	sfence.sel $0xFFFF  }
0xbf: {  	[dreg:$0x0] =	wrdreg $0xFFFFFFFF;
	(pc) =	sbr.abs _section_cstart, $3  }
0xc0: {  	[dreg:$0x1] =	wrdreg $0xFFFFFFFF  }
0xc1: {  	_ =	task.clear_ibuf [dreg:s6], $0x2FFFF;
	_ =	strace $0x9FFFFFFF  }
0xc2: {  	(tm) =	ssettm $0x7FFFFFFF  }
0xc3: {  	_ =	shalt  }
tec
execute0_lowered:
.L_overlay_start_1:
0x0: {  	(tag) =	ssettag $0x1  }
0x1: {  	s0 =	srdreg.scid;
	s6 =	rddreg [dreg:$0x0]  }
0x2: {  	s2 =	rddreg [dreg:$0x1];
	s1 =	stileid.u32;
	s3 =	simm.s32 $0x0  }
0x3: {  	s14 =	simm.s32 $0x2800;
	s15 =	simm.s32 $0x1480;
	s16 =	simm.s32 $0x6800  }
0x4: {  	s20 =	simm.s32 $0x1;
	s21 =	simm.s32 $0x2;
	s22 =	simm.s32 $0x1300  }
0x5: {  	s23 =	simm.s32 $0x1380;
	s5 =	sand.u32 $0x1, s0;
	s0 =	rddreg [dreg:$0x2]  }
0x6: {  	s24 =	simm.s32 $0x0;
	[smem:$0x7FF] =	sst s3;
	s8 =	smul.u32 $0x4E000, s1  }
0x7: {  	s12 =	smul.u32 $0x13800, s1;
	s13 =	sadd.s32 $0x147800, s6;
	s19 =	sadd.s32 $0x138000, s2  }
0x8: {  	p0 =	sne.s32 s1, $0xF;
	s17 =	sshll.u32 s1, $0x6;
	s4 =	sshll.u32 s5, $0x4  }
0x9: {  	_ =	strace $0x80000047;
	s9 =	ssub.s32 $0x2, s5;
	s10 =	smul.u32 $0x138800, s5  }
0xa: {  	s5 =	sadd.s32 $0x145000, s6;
	s17 =	sor.u32 $0x1C03, s17;
	s19 =	sshrl.u32 @!p0 s19, $0x3  }
0xb: {  	s4 =	sor.u32 s1, s4;
	s11 =	sshrl.u32 s9, $0x1;
	s8 =	sshrl.u32 s8, $0x2  }
0xc: {  	s7 =	smul.u32 $0x280, s4;
	s4 =	sadd.s32 $0xC800, s6;
	s11 =	ssub.s32 s9, s11  }
0xd: {  	s29 =	sadd.s32 s12, s10;
	s18 =	sadd.s32 s8, s2;
	s31 =	sshrl.u32 s10, $0x3  }
0xe: {  	s12 =	simm.s32 $0x3;
	s30 =	sshrl.u32 s29, $0x3;
	s9 =	sadd.s32 s13, s31  }
0xf: {  	s10 =	smax.u32 s11, $0x1;
	s11 =	simm.s32 $0x1400;
	s18 =	sshrl.u32 s18, $0x3  }
0x10: {  	s7 =	sadd.s32 s7, s6;
	s8 =	sadd.s32 s13, s30;
	s9 =	sadd.s32 $0x27000, s9  }
0x11: {  	s13 =	simm.s32 $0x80;
	s6 =	sadd.s32 $0x2800, s7;
	s7 =	sadd.s32 $0x7800, s7  }
.LBB2_1:
0x12: {  	[tilespmem:s11], [sflag:$0x3] =	stream.linear.gather [hbm4b:s6+s3], $0x1400, $0x38;
	[tilespmem:$0x1E100] =	vst v63  }
0x13: {  	_ =	swait.ge [sflag:s12], $0x1400  }
0x14: {  	[sflag:s12] =	ssyncset.done $0x0  }
0x15: {  	[sflag:s12] =	ssyncadd.s32 $0xFFFFEC00  }
0x16: {  	[tilespmem:s14], [sflag:$0x1] =	stream.indirect.gather [hbm4b:s4+s13], $0x80, s11, s13, $0xb8;
	[tilespmem:$0x1E100] =	vst v63  }
0x17: {  	_ = 	snop  }
0x18: {  	[tilespmem:s16], [sflag:$0x2] =	stream.indirect.gather [hbm4b:s4+s13], $0x80, s15, s13, $0xb8;
	[tilespmem:$0x1E100] =	vst v63  }
0x19: {  	_ = 	snop  }
0x1a: {  	[tilespmem:s3], [sflag:$0x3] =	stream.linear.gather [hbm4b:s7+s3], $0x1400, $0x38;
	[tilespmem:$0x1E100] =	vst v63  }
0x1b: {  	_ =	swait.ge [sflag:s12], $0x1400  }
0x1c: {  	[sflag:s12] =	ssyncset.done $0x0  }
0x1d: {  	[sflag:s12] =	ssyncadd.s32 $0xFFFFEC00  }
0x1e: {  	[spmem:s18], [sflag:s17] =	dma.local [hbm:s5], $0x2700  }
0x1f: {  	_ =	swait.ge [sflag:s12], $0x2700  }
0x20: {  	[sflag:s12] =	ssyncset.done $0x0  }
0x21: {  	s25 =	simm.s32 @!p0 $0x3;
	[sflag:s12] =	ssyncadd.s32 $0xFFFFD900  }
0x22: {  	[spmem:s19], [sflag:s17] =	dma.local @!p0 [hbm:s5], $0x200  }
0x23: {  	_ =	swait.ge @!p0 [sflag:s25], $0x200  }
0x24: {  	[sflag:s25] =	ssyncset.done @!p0 $0x0  }
0x25: {  	[sflag:s25] =	ssyncadd.s32 @!p0 $0xFFFFFE00  }
0x26: {  	[bflag:$0x0] =	sbarrier.arrive $0xFFFF  }
0x27: {  	_ =	swait.ge [sflag:s20], $0x4000  }
0x28: {  	[sflag:s20] =	ssyncset.done $0x0  }
0x29: {  	s29 =	simm.s32 $0x0;
	[sflag:s20] =	ssyncadd.s32 $0xFFFFC000  }
0x2a: {  	[spmem:s2] =	stream.indirect.scatter.add.f32 [tilespmem:s14], [sflag:$0x3], $0x80, s29, s13, $0xb8;
	[tilespmem:$0x1E100] =	vst v63  }
0x2b: {  	_ =	swait.ge [sflag:s12], $0x4000  }
0x2c: {  	[sflag:s12] =	ssyncset.done $0x0  }
0x2d: {  	s30 =	simm.s32 $0x1500;
	[sflag:s12] =	ssyncadd.s32 $0xFFFFC000  }
0x2e: {  	[tilespmem:s14], [sflag:$0x1] =	stream.indirect.gather [hbm4b:s4+s13], $0x80, s30, s13, $0xb8;
	[tilespmem:$0x1E100] =	vst v63  }
0x2f: {  	_ =	swait.ge [sflag:s21], $0x4000  }
0x30: {  	[sflag:s21] =	ssyncset.done $0x0  }
0x31: {  	s31 =	simm.s32 $0x80;
	[sflag:s21] =	ssyncadd.s32 $0xFFFFC000  }
0x32: {  	[spmem:s2] =	stream.indirect.scatter.add.f32 [tilespmem:s16], [sflag:$0x3], $0x80, s31, s13, $0xb8;
	[tilespmem:$0x1E100] =	vst v63  }
0x33: {  	_ =	swait.ge [sflag:s12], $0x4000  }
0x34: {  	[sflag:s12] =	ssyncset.done $0x0  }
0x35: {  	s26 =	simm.s32 $0x1580;
	s25 =	simm.s32 $0x400;
	[sflag:s12] =	ssyncadd.s32 $0xFFFFC000  }
.LBB2_2:
0x36: {  	[tilespmem:s16], [sflag:$0x2] =	stream.indirect.gather [hbm4b:s4+s13], $0x80, s26, s13, $0xb8;
	[tilespmem:$0x1E100] =	vst v63  }
0x37: {  	s26 =	smov.u32 s25  }
0x38: {  	p1 =	sne.s32 s25, $0x4800;
	s25 =	sadd.s32 $0x400, s25;
	_ =	swait.ge [sflag:s20], $0x4000  }
0x39: {  	[sflag:s20] =	ssyncset.done $0x0  }
0x3a: {  	s26 =	sshra.s32 s26, $0x2;
	[sflag:s20] =	ssyncadd.s32 $0xFFFFC000  }
0x3b: {  	[spmem:s2] =	stream.indirect.scatter.add.f32 [tilespmem:s14], [sflag:$0x3], $0x80, s26, s13, $0xb8;
	[tilespmem:$0x1E100] =	vst v63  }
0x3c: {  	_ =	swait.ge [sflag:s12], $0x4000  }
0x3d: {  	[sflag:s12] =	ssyncset.done $0x0  }
0x3e: {  	s28 =	sadd.s32 $0x1500, s26;
	[sflag:s12] =	ssyncadd.s32 $0xFFFFC000  }
0x3f: {  	[tilespmem:s14], [sflag:$0x1] =	stream.indirect.gather [hbm4b:s4+s13], $0x80, s28, s13, $0xb8;
	[tilespmem:$0x1E100] =	vst v63  }
0x40: {  	_ =	swait.ge [sflag:s21], $0x4000  }
0x41: {  	[sflag:s21] =	ssyncset.done $0x0  }
.Ltmp0:
0x42: {  	s28 =	sadd.s32 $0x80, s26;
	[sflag:s21] =	ssyncadd.s32 $0xFFFFC000;
	(pc) =	sbr.rel @p1 .LBB2_2-.Ltmp0, $4  }
0x43: {  	[spmem:s2] =	stream.indirect.scatter.add.f32 [tilespmem:s16], [sflag:$0x3], $0x80, s28, s13, $0xb8;
	[tilespmem:$0x1E100] =	vst v63  }
0x44: {  	_ =	swait.ge [sflag:s12], $0x4000  }
0x45: {  	[sflag:s12] =	ssyncset.done $0x0  }
0x46: {  	s26 =	sadd.s32 $0x1580, s26;
	[sflag:s12] =	ssyncadd.s32 $0xFFFFC000  }
0x47: {  	[tilespmem:s16], [sflag:$0x2] =	stream.indirect.gather [hbm4b:s4+s13], $0x80, s26, s13, $0xb8;
	[tilespmem:$0x1E100] =	vst v63  }
0x48: {  	_ =	swait.ge [sflag:s20], $0x4000  }
0x49: {  	[sflag:s20] =	ssyncset.done $0x0  }
0x4a: {  	[sflag:s20] =	ssyncadd.s32 $0xFFFFC000  }
0x4b: {  	[spmem:s2] =	stream.indirect.scatter.add.f32 [tilespmem:s14], [sflag:$0x3], $0x80, s22, s13, $0xb8;
	[tilespmem:$0x1E100] =	vst v63  }
0x4c: {  	_ =	swait.ge [sflag:s12], $0x4000  }
0x4d: {  	[sflag:s12] =	ssyncset.done $0x0  }
0x4e: {  	[sflag:s12] =	ssyncadd.s32 $0xFFFFC000  }
0x4f: {  	_ =	swait.ge [sflag:s21], $0x4000  }
0x50: {  	[sflag:s21] =	ssyncset.done $0x0  }
0x51: {  	[sflag:s21] =	ssyncadd.s32 $0xFFFFC000  }
0x52: {  	[spmem:s2] =	stream.indirect.scatter.add.f32 [tilespmem:s16], [sflag:$0x3], $0x80, s23, s13, $0xb8;
	[tilespmem:$0x1E100] =	vst v63  }
0x53: {  	_ =	swait.ge [sflag:s12], $0x4000  }
0x54: {  	[sflag:s12] =	ssyncset.done $0x0  }
0x55: {  	[sflag:s12] =	ssyncadd.s32 $0xFFFFC000  }
0x56: {  	[bflag:$0x0] =	sbarrier.arrive $0xFFFF  }
0x57: {  	[hbm:s8], [sflag:s17] =	dma.local [spmem:s18], $0x2700  }
0x58: {  	s24 =	sadd.s32 $0x1, s24;
	_ =	swait.ge [sflag:s12], $0x2700  }
0x59: {  	p1 =	sne.s32 s24, s10;
	[sflag:s12] =	ssyncset.done $0x0  }
.Ltmp1:
0x5a: {  	s25 =	simm.s32 @!p0 $0x3;
	[sflag:s12] =	ssyncadd.s32 $0xFFFFD900;
	(pc) =	sbr.rel @p1 .LBB2_1-.Ltmp1, $4  }
0x5b: {  	[hbm:s9], [sflag:s17] =	dma.local @!p0 [spmem:s19], $0x100  }
0x5c: {  	_ =	swait.ge @!p0 [sflag:s25], $0x100  }
0x5d: {  	[sflag:s25] =	ssyncset.done @!p0 $0x0  }
0x5e: {  	[sflag:s25] =	ssyncadd.s32 @!p0 $0xFFFFFF00  }
0x5f: {  	_ =	sfence.sel $0x180000  }
0x60: {  	[bflag:$0x0] =	sbarrier.arrive $0xFFFF  }
0x61: {  	p0 =	sne.s32 s1, $0x0;
	_ =	strace $0x90000047  }
0x62: {  	s0 =	sadd.s32 @!p0 $0x100000, s0;
	[bflag:$0x2] =	sbarrier.arrive $0xFFFF  }
0x63: {  	[sflag:s0] =	ssyncadd.tile.s32 @!p0 $0x1;
	_ =	shalt  }
.Lfunc_end2:
_tile_overlayer_lowered:
.L_overlay_start_2:
0x64: {  	(tag) =	ssettag $0x2  }
0x65: {  	s0 =	rddreg [dreg:$0x0];
	s2 =	stileid.u32  }
0x66: {  	s1 =	rddreg [dreg:$0x1];
	p0 =	sne.s32 s2, $0x0  }
0x67: {  	s3 =	rddreg [dreg:$0x2];
	[bflag:$0x3] =	sbarrier.arrive $0xFFFF;
	s2 =	simm.s32 @!p0 $0x1C03  }
0x68: {  	[timem:s3], [sflag:s2] =	dma.local @!p0 [hbm:s0], s1  }
0x69: {  	s0 =	simm.s32 @!p0 $0x3  }
0x6a: {  	_ =	swait.ge @!p0 [sflag:s0], s1  }
0x6b: {  	s1 =	ssub.s32 @!p0 $0x0, s1;
	[sflag:s0] =	ssyncset.done @!p0 $0x0  }
0x6c: {  	[sflag:s0] =	ssyncadd.s32 @!p0 s1  }
0x6d: {  	[bflag:$0x3] =	sbarrier.arrive $0xFFFF  }
0x6e: {  	_ =	shalt  }

</sc_bundles>
